<compile_context>
chip_gen: v7x
topology: tpu7x:2x2x1
jax: 0.10.2.dev20260603
libtpu: 0.0.44.dev20260713+nightly
codegen_flags: <defaults>
</compile_context>

<pallas_src>
import jax
import jax.numpy as jnp
from jax import lax
from jax.experimental import pallas as pl
from jax.experimental.pallas import tpu as pltpu
from jax.experimental.pallas import tpu_sc as plsc

NUM_ENT = 1000000
NUM_REL = 1000
DIM = 32
BATCH = 16384

_INFO = plsc.get_sparse_core_info()
NC = _INFO.num_cores
NS = _INFO.num_subcores
NW = NC * NS
B_PER_W = BATCH // NW
CHUNK = 128
NCHUNK = B_PER_W // CHUNK


def _newton_sqrt(x):
  bits = plsc.bitcast(x, jnp.int32)
  seed = jnp.int32(0x5F3759DF) - lax.shift_right_logical(bits, 1)
  y = plsc.bitcast(seed, jnp.float32)
  half = x * 0.5
  for _ in range(3):
    y = y * (1.5 - half * y * y)
  return x * y


def _body(eh, rvh, u2, r2, v2, out, uidx, ridx, vidx, urows, rrows, vrows,
          ssq, sem):
  wid = lax.axis_index("s") * NC + lax.axis_index("c")
  base = wid * B_PER_W

  pltpu.sync_copy(u2.at[pl.ds(wid * NCHUNK, NCHUNK)], uidx)
  pltpu.sync_copy(r2.at[pl.ds(wid * NCHUNK, NCHUNK)], ridx)
  pltpu.sync_copy(v2.at[pl.ds(wid * NCHUNK, NCHUNK)], vidx)

  copies = []
  for j in range(NCHUNK):
    sl = pl.ds(j * CHUNK, CHUNK)
    copies.append(pltpu.async_copy(eh.at[uidx.at[j]], urows.at[sl], sem))
    copies.append(pltpu.async_copy(eh.at[vidx.at[j]], vrows.at[sl], sem))
    copies.append(pltpu.async_copy(rvh.at[ridx.at[j]], rrows.at[sl], sem))
  for c in copies:
    c.wait()

  iota = lax.iota(jnp.int32, 16)

  @plsc.parallel_loop(0, B_PER_W // 16)
  def _grp(g):
    gbase = g * 16
    res = jnp.zeros((16,), jnp.float32)
    for j in range(16):
      i = gbase + j
      u0 = urows[i, pl.ds(0, 16)]
      u1 = urows[i, pl.ds(16, 16)]
      r0 = rrows[i, pl.ds(0, 16)]
      r1 = rrows[i, pl.ds(16, 16)]
      v0 = vrows[i, pl.ds(0, 16)]
      v1 = vrows[i, pl.ds(16, 16)]
      d0 = u0 + r0 - v0
      d1 = u1 + r1 - v1
      h = d0 * d0 + d1 * d1
      res = jnp.where(iota == j, plsc.cumsum(h)[15], res)
    ssq[pl.ds(gbase, 16)] = _newton_sqrt(res)

  pltpu.sync_copy(ssq, out.at[pl.ds(base, B_PER_W)])


@jax.jit
def kernel(u_idx, r_idx, v_idx, Eh, rvh):
  u2 = u_idx.reshape(NW * NCHUNK, CHUNK).astype(jnp.int32)
  r2 = r_idx.reshape(NW * NCHUNK, CHUNK).astype(jnp.int32)
  v2 = v_idx.reshape(NW * NCHUNK, CHUNK).astype(jnp.int32)

  mesh = plsc.VectorSubcoreMesh(core_axis_name="c", subcore_axis_name="s")
  run = pl.kernel(
      _body,
      out_type=jax.ShapeDtypeStruct((BATCH,), jnp.float32),
      mesh=mesh,
      compiler_params=pltpu.CompilerParams(
          needs_layout_passes=False, use_tc_tiling_on_sc=False),
      scratch_types=dict(
          uidx=pltpu.VMEM((NCHUNK, CHUNK), jnp.int32),
          ridx=pltpu.VMEM((NCHUNK, CHUNK), jnp.int32),
          vidx=pltpu.VMEM((NCHUNK, CHUNK), jnp.int32),
          urows=pltpu.VMEM((B_PER_W, DIM), jnp.float32),
          rrows=pltpu.VMEM((B_PER_W, DIM), jnp.float32),
          vrows=pltpu.VMEM((B_PER_W, DIM), jnp.float32),
          ssq=pltpu.VMEM((B_PER_W,), jnp.float32),
          sem=pltpu.SemaphoreType.DMA,
      ),
  )
  return run(Eh, rvh, u2, r2, v2)

# --- scband reference (transcript-rebuilt; emitter-appended) ---
"""Pipeline reference for scband-trans-e-78623671320967 (READ-ONLY COPY).

The authoritative reference and input builder live on the scoring server;
editing this copy changes nothing except your own understanding.
"""

import jax, jax.numpy as jnp
import numpy as np

NUM_ENT = 1000000
NUM_REL = 1000
DIM = 32
P_NORM = 2
BATCH = 16384


def setup_inputs(seed: int = 0):
    key = jax.random.key(seed)
    k1, k2, k3, k4, k5 = jax.random.split(key, 5)
    u_idx = jax.random.randint(k1, (BATCH,), 0, NUM_ENT, dtype=jnp.int64 if jax.config.jax_enable_x64 else jnp.int32)
    r_idx = jax.random.randint(k2, (BATCH,), 0, NUM_REL, dtype=jnp.int64 if jax.config.jax_enable_x64 else jnp.int32)
    v_idx = jax.random.randint(k3, (BATCH,), 0, NUM_ENT, dtype=jnp.int64 if jax.config.jax_enable_x64 else jnp.int32)
    # xavier_uniform init like torch.nn.init.xavier_uniform_
    limit_e = float(np.sqrt(6.0 / (NUM_ENT + DIM)))
    Eh = jax.random.uniform(k4, (NUM_ENT, DIM), minval=-limit_e, maxval=limit_e, dtype=jnp.float32)
    limit_r = float(np.sqrt(6.0 / (NUM_REL + DIM)))
    rvh = jax.random.uniform(k5, (NUM_REL, DIM), minval=-limit_r, maxval=limit_r, dtype=jnp.float32)
    return {"u_idx": u_idx, "r_idx": r_idx, "v_idx": v_idx, "Eh": Eh, "rvh": rvh}


def reference(u_idx, r_idx, v_idx, Eh, rvh):
    # Note: original torch forward indexes .weight directly, so max_norm renorm is bypassed.
    u = jnp.take(Eh, u_idx, axis=0)
    v = jnp.take(Eh, v_idx, axis=0)
    r = jnp.take(rvh, r_idx, axis=0)
    diff = u + r - v
    if P_NORM == 2:
        return jnp.sqrt(jnp.sum(diff * diff, axis=-1))
    elif P_NORM == 1:
        return jnp.sum(jnp.abs(diff), axis=-1)
    else:
        return jnp.sum(jnp.abs(diff) ** P_NORM, axis=-1) ** (1.0 / P_NORM)

if __name__ == "__main__":
    import jax
    _d = setup_inputs()
    print(jax.jit(kernel)(*tuple(_d.values())))

</pallas_src>

<mosaic_0001>
#map = affine_map<(d0, d1) -> (0, 0)>
#map1 = affine_map<(d0, d1) -> (0)>
module attributes {stable_mosaic.version = 14 : i64} {
  func.func @_body(%arg0: i32, %arg1: i32, %arg2: memref<1000000x32xf32, #tpu.memory_space<hbm>>, %arg3: memref<1000x32xf32, #tpu.memory_space<hbm>>, %arg4: memref<128x128xi32, #tpu.memory_space<hbm>>, %arg5: memref<128x128xi32, #tpu.memory_space<hbm>>, %arg6: memref<128x128xi32, #tpu.memory_space<hbm>>, %arg7: memref<16384xf32, #tpu.memory_space<hbm>>, %arg8: memref<4x128xi32, #tpu.memory_space<vmem>>, %arg9: memref<512x32xf32, #tpu.memory_space<vmem>>, %arg10: memref<!tpu.dma_semaphore, #tpu.memory_space<semaphore_mem>>, %arg11: memref<512xf32, #tpu.memory_space<vmem>>, %arg12: memref<4x128xi32, #tpu.memory_space<vmem>>, %arg13: memref<512x32xf32, #tpu.memory_space<vmem>>, %arg14: memref<4x128xi32, #tpu.memory_space<vmem>>, %arg15: memref<512x32xf32, #tpu.memory_space<vmem>>) attributes {dimension_semantics = [#tpu.dimension_semantics<core_parallel>, #tpu.dimension_semantics<subcore_parallel>], iteration_bounds = array<i64: 2, 16>, scalar_prefetch = 0 : i64, scratch_operands = 8 : i64, tpu.core_type = #tpu.core_type<sc_vector_subcore>, window_params = [{transform_indices = #map}, {transform_indices = #map}, {transform_indices = #map}, {transform_indices = #map}, {transform_indices = #map}, {transform_indices = #map1}]} {
    %mul3A = arith.constant 2 : i32
    %mul3A_0 = arith.muli %arg1, %mul3A : i32
    %add3A = arith.addi %mul3A_0, %arg0 : i32
    %mul3A_1 = arith.constant 512 : i32
    %mul3A_2 = arith.muli %add3A, %mul3A_1 : i32
    %mul3A_3 = arith.constant 4 : i32
    %mul3A_4 = arith.muli %add3A, %mul3A_3 : i32
    "tpu.region"() ({
      %run_scoped3A = tpu.sem_alloc : memref<!tpu.dma_semaphore, #tpu.memory_space<semaphore_mem>>
      %dma_start3A_249 = arith.constant 0 : i32
      %dma_start3A_250 = tpu.memref_slice %arg4[%mul3A_4, %dma_start3A_249] : memref<128x128xi32, #tpu.memory_space<hbm>> -> memref<4x128xi32, #tpu.memory_space<hbm>>
      %dma_start3A_251 = arith.constant 0 : i32
      %dma_start3A_252 = tpu.memref_slice %arg4[%mul3A_4, %dma_start3A_251] : memref<128x128xi32, #tpu.memory_space<hbm>> -> memref<4x128xi32, #tpu.memory_space<hbm>>
      tpu.enqueue_dma source(%dma_start3A_252 : memref<4x128xi32, #tpu.memory_space<hbm>>) target(%arg12 : memref<4x128xi32, #tpu.memory_space<vmem>>) target_semaphore(%run_scoped3A : memref<!tpu.dma_semaphore, #tpu.memory_space<semaphore_mem>>)
      %dma_wait3A_253 = arith.constant 0 : i32
      %dma_wait3A_254 = tpu.memref_slice %arg4[%mul3A_4, %dma_wait3A_253] : memref<128x128xi32, #tpu.memory_space<hbm>> -> memref<4x128xi32, #tpu.memory_space<hbm>>
      %dma_wait3A_255 = arith.constant 0 : i32
      %dma_wait3A_256 = tpu.memref_slice %arg4[%mul3A_4, %dma_wait3A_255] : memref<128x128xi32, #tpu.memory_space<hbm>> -> memref<4x128xi32, #tpu.memory_space<hbm>>
      tpu.wait_dma2 semaphore(%run_scoped3A : memref<!tpu.dma_semaphore, #tpu.memory_space<semaphore_mem>>) src(%dma_wait3A_256 : memref<4x128xi32, #tpu.memory_space<hbm>>) dst(%arg12 : memref<4x128xi32, #tpu.memory_space<vmem>>)
      tpu.yield
    }) : () -> ()
    %mul3A_5 = arith.constant 4 : i32
    %mul3A_6 = arith.muli %add3A, %mul3A_5 : i32
    "tpu.region"() ({
      %run_scoped3A = tpu.sem_alloc : memref<!tpu.dma_semaphore, #tpu.memory_space<semaphore_mem>>
      %dma_start3A_249 = arith.constant 0 : i32
      %dma_start3A_250 = tpu.memref_slice %arg5[%mul3A_6, %dma_start3A_249] : memref<128x128xi32, #tpu.memory_space<hbm>> -> memref<4x128xi32, #tpu.memory_space<hbm>>
      %dma_start3A_251 = arith.constant 0 : i32
      %dma_start3A_252 = tpu.memref_slice %arg5[%mul3A_6, %dma_start3A_251] : memref<128x128xi32, #tpu.memory_space<hbm>> -> memref<4x128xi32, #tpu.memory_space<hbm>>
      tpu.enqueue_dma source(%dma_start3A_252 : memref<4x128xi32, #tpu.memory_space<hbm>>) target(%arg8 : memref<4x128xi32, #tpu.memory_space<vmem>>) target_semaphore(%run_scoped3A : memref<!tpu.dma_semaphore, #tpu.memory_space<semaphore_mem>>)
      %dma_wait3A_253 = arith.constant 0 : i32
      %dma_wait3A_254 = tpu.memref_slice %arg5[%mul3A_6, %dma_wait3A_253] : memref<128x128xi32, #tpu.memory_space<hbm>> -> memref<4x128xi32, #tpu.memory_space<hbm>>
      %dma_wait3A_255 = arith.constant 0 : i32
      %dma_wait3A_256 = tpu.memref_slice %arg5[%mul3A_6, %dma_wait3A_255] : memref<128x128xi32, #tpu.memory_space<hbm>> -> memref<4x128xi32, #tpu.memory_space<hbm>>
      tpu.wait_dma2 semaphore(%run_scoped3A : memref<!tpu.dma_semaphore, #tpu.memory_space<semaphore_mem>>) src(%dma_wait3A_256 : memref<4x128xi32, #tpu.memory_space<hbm>>) dst(%arg8 : memref<4x128xi32, #tpu.memory_space<vmem>>)
      tpu.yield
    }) : () -> ()
    %mul3A_7 = arith.constant 4 : i32
    %mul3A_8 = arith.muli %add3A, %mul3A_7 : i32
    "tpu.region"() ({
      %run_scoped3A = tpu.sem_alloc : memref<!tpu.dma_semaphore, #tpu.memory_space<semaphore_mem>>
      %dma_start3A_249 = arith.constant 0 : i32
      %dma_start3A_250 = tpu.memref_slice %arg6[%mul3A_8, %dma_start3A_249] : memref<128x128xi32, #tpu.memory_space<hbm>> -> memref<4x128xi32, #tpu.memory_space<hbm>>
      %dma_start3A_251 = arith.constant 0 : i32
      %dma_start3A_252 = tpu.memref_slice %arg6[%mul3A_8, %dma_start3A_251] : memref<128x128xi32, #tpu.memory_space<hbm>> -> memref<4x128xi32, #tpu.memory_space<hbm>>
      tpu.enqueue_dma source(%dma_start3A_252 : memref<4x128xi32, #tpu.memory_space<hbm>>) target(%arg14 : memref<4x128xi32, #tpu.memory_space<vmem>>) target_semaphore(%run_scoped3A : memref<!tpu.dma_semaphore, #tpu.memory_space<semaphore_mem>>)
      %dma_wait3A_253 = arith.constant 0 : i32
      %dma_wait3A_254 = tpu.memref_slice %arg6[%mul3A_8, %dma_wait3A_253] : memref<128x128xi32, #tpu.memory_space<hbm>> -> memref<4x128xi32, #tpu.memory_space<hbm>>
      %dma_wait3A_255 = arith.constant 0 : i32
      %dma_wait3A_256 = tpu.memref_slice %arg6[%mul3A_8, %dma_wait3A_255] : memref<128x128xi32, #tpu.memory_space<hbm>> -> memref<4x128xi32, #tpu.memory_space<hbm>>
      tpu.wait_dma2 semaphore(%run_scoped3A : memref<!tpu.dma_semaphore, #tpu.memory_space<semaphore_mem>>) src(%dma_wait3A_256 : memref<4x128xi32, #tpu.memory_space<hbm>>) dst(%arg14 : memref<4x128xi32, #tpu.memory_space<vmem>>)
      tpu.yield
    }) : () -> ()
    %dma_start3A = arith.constant 0 : i32
    %dma_start3A_9 = arith.constant 0 : i32
    %dma_start3A_10 = arith.constant 0 : i32
    %dma_start3A_11 = tpu.memref_slice %arg13[%dma_start3A_9, %dma_start3A_10] : memref<512x32xf32, #tpu.memory_space<vmem>> -> memref<128x32xf32, #tpu.memory_space<vmem>>
    %dma_start3A_12 = arith.constant 0 : i32
    %dma_start3A_13 = tpu.memref_slice %arg12[%dma_start3A, %dma_start3A_12] : memref<4x128xi32, #tpu.memory_space<vmem>> -> memref<1x128xi32, #tpu.memory_space<vmem>>
    %dma_start3A_14 = tpu.memref_squeeze %dma_start3A_13 : memref<1x128xi32, #tpu.memory_space<vmem>> -> memref<128xi32, #tpu.memory_space<vmem>>
    %dma_start3A_15 = arith.constant 0 : i32
    %dma_start3A_16 = arith.constant 0 : i32
    %dma_start3A_17 = tpu.memref_slice %arg2[%dma_start3A_15, %dma_start3A_16] : memref<1000000x32xf32, #tpu.memory_space<hbm>> -> memref<1000000x32xf32, #tpu.memory_space<hbm>>
    tpu.enqueue_indirect_dma source(%dma_start3A_17 : memref<1000000x32xf32, #tpu.memory_space<hbm>>) target(%dma_start3A_11 : memref<128x32xf32, #tpu.memory_space<vmem>>) offsets(%dma_start3A_14 : memref<128xi32, #tpu.memory_space<vmem>>) semaphore(%arg10 : memref<!tpu.dma_semaphore, #tpu.memory_space<semaphore_mem>>)
    %dma_start3A_18 = arith.constant 0 : i32
    %dma_start3A_19 = arith.constant 0 : i32
    %dma_start3A_20 = arith.constant 0 : i32
    %dma_start3A_21 = tpu.memref_slice %arg15[%dma_start3A_19, %dma_start3A_20] : memref<512x32xf32, #tpu.memory_space<vmem>> -> memref<128x32xf32, #tpu.memory_space<vmem>>
    %dma_start3A_22 = arith.constant 0 : i32
    %dma_start3A_23 = tpu.memref_slice %arg14[%dma_start3A_18, %dma_start3A_22] : memref<4x128xi32, #tpu.memory_space<vmem>> -> memref<1x128xi32, #tpu.memory_space<vmem>>
    %dma_start3A_24 = tpu.memref_squeeze %dma_start3A_23 : memref<1x128xi32, #tpu.memory_space<vmem>> -> memref<128xi32, #tpu.memory_space<vmem>>
    %dma_start3A_25 = arith.constant 0 : i32
    %dma_start3A_26 = arith.constant 0 : i32
    %dma_start3A_27 = tpu.memref_slice %arg2[%dma_start3A_25, %dma_start3A_26] : memref<1000000x32xf32, #tpu.memory_space<hbm>> -> memref<1000000x32xf32, #tpu.memory_space<hbm>>
    tpu.enqueue_indirect_dma source(%dma_start3A_27 : memref<1000000x32xf32, #tpu.memory_space<hbm>>) target(%dma_start3A_21 : memref<128x32xf32, #tpu.memory_space<vmem>>) offsets(%dma_start3A_24 : memref<128xi32, #tpu.memory_space<vmem>>) semaphore(%arg10 : memref<!tpu.dma_semaphore, #tpu.memory_space<semaphore_mem>>)
    %dma_start3A_28 = arith.constant 0 : i32
    %dma_start3A_29 = arith.constant 0 : i32
    %dma_start3A_30 = arith.constant 0 : i32
    %dma_start3A_31 = tpu.memref_slice %arg9[%dma_start3A_29, %dma_start3A_30] : memref<512x32xf32, #tpu.memory_space<vmem>> -> memref<128x32xf32, #tpu.memory_space<vmem>>
    %dma_start3A_32 = arith.constant 0 : i32
    %dma_start3A_33 = tpu.memref_slice %arg8[%dma_start3A_28, %dma_start3A_32] : memref<4x128xi32, #tpu.memory_space<vmem>> -> memref<1x128xi32, #tpu.memory_space<vmem>>
    %dma_start3A_34 = tpu.memref_squeeze %dma_start3A_33 : memref<1x128xi32, #tpu.memory_space<vmem>> -> memref<128xi32, #tpu.memory_space<vmem>>
    %dma_start3A_35 = arith.constant 0 : i32
    %dma_start3A_36 = arith.constant 0 : i32
    %dma_start3A_37 = tpu.memref_slice %arg3[%dma_start3A_35, %dma_start3A_36] : memref<1000x32xf32, #tpu.memory_space<hbm>> -> memref<1000x32xf32, #tpu.memory_space<hbm>>
    tpu.enqueue_indirect_dma source(%dma_start3A_37 : memref<1000x32xf32, #tpu.memory_space<hbm>>) target(%dma_start3A_31 : memref<128x32xf32, #tpu.memory_space<vmem>>) offsets(%dma_start3A_34 : memref<128xi32, #tpu.memory_space<vmem>>) semaphore(%arg10 : memref<!tpu.dma_semaphore, #tpu.memory_space<semaphore_mem>>)
    %dma_start3A_38 = arith.constant 1 : i32
    %dma_start3A_39 = arith.constant 128 : i32
    %dma_start3A_40 = arith.constant 0 : i32
    %dma_start3A_41 = tpu.memref_slice %arg13[%dma_start3A_39, %dma_start3A_40] : memref<512x32xf32, #tpu.memory_space<vmem>> -> memref<128x32xf32, #tpu.memory_space<vmem>>
    %dma_start3A_42 = arith.constant 0 : i32
    %dma_start3A_43 = tpu.memref_slice %arg12[%dma_start3A_38, %dma_start3A_42] : memref<4x128xi32, #tpu.memory_space<vmem>> -> memref<1x128xi32, #tpu.memory_space<vmem>>
    %dma_start3A_44 = tpu.memref_squeeze %dma_start3A_43 : memref<1x128xi32, #tpu.memory_space<vmem>> -> memref<128xi32, #tpu.memory_space<vmem>>
    %dma_start3A_45 = arith.constant 0 : i32
    %dma_start3A_46 = arith.constant 0 : i32
    %dma_start3A_47 = tpu.memref_slice %arg2[%dma_start3A_45, %dma_start3A_46] : memref<1000000x32xf32, #tpu.memory_space<hbm>> -> memref<1000000x32xf32, #tpu.memory_space<hbm>>
    tpu.enqueue_indirect_dma source(%dma_start3A_47 : memref<1000000x32xf32, #tpu.memory_space<hbm>>) target(%dma_start3A_41 : memref<128x32xf32, #tpu.memory_space<vmem>>) offsets(%dma_start3A_44 : memref<128xi32, #tpu.memory_space<vmem>>) semaphore(%arg10 : memref<!tpu.dma_semaphore, #tpu.memory_space<semaphore_mem>>)
    %dma_start3A_48 = arith.constant 1 : i32
    %dma_start3A_49 = arith.constant 128 : i32
    %dma_start3A_50 = arith.constant 0 : i32
    %dma_start3A_51 = tpu.memref_slice %arg15[%dma_start3A_49, %dma_start3A_50] : memref<512x32xf32, #tpu.memory_space<vmem>> -> memref<128x32xf32, #tpu.memory_space<vmem>>
    %dma_start3A_52 = arith.constant 0 : i32
    %dma_start3A_53 = tpu.memref_slice %arg14[%dma_start3A_48, %dma_start3A_52] : memref<4x128xi32, #tpu.memory_space<vmem>> -> memref<1x128xi32, #tpu.memory_space<vmem>>
    %dma_start3A_54 = tpu.memref_squeeze %dma_start3A_53 : memref<1x128xi32, #tpu.memory_space<vmem>> -> memref<128xi32, #tpu.memory_space<vmem>>
    %dma_start3A_55 = arith.constant 0 : i32
    %dma_start3A_56 = arith.constant 0 : i32
    %dma_start3A_57 = tpu.memref_slice %arg2[%dma_start3A_55, %dma_start3A_56] : memref<1000000x32xf32, #tpu.memory_space<hbm>> -> memref<1000000x32xf32, #tpu.memory_space<hbm>>
    tpu.enqueue_indirect_dma source(%dma_start3A_57 : memref<1000000x32xf32, #tpu.memory_space<hbm>>) target(%dma_start3A_51 : memref<128x32xf32, #tpu.memory_space<vmem>>) offsets(%dma_start3A_54 : memref<128xi32, #tpu.memory_space<vmem>>) semaphore(%arg10 : memref<!tpu.dma_semaphore, #tpu.memory_space<semaphore_mem>>)
    %dma_start3A_58 = arith.constant 1 : i32
    %dma_start3A_59 = arith.constant 128 : i32
    %dma_start3A_60 = arith.constant 0 : i32
    %dma_start3A_61 = tpu.memref_slice %arg9[%dma_start3A_59, %dma_start3A_60] : memref<512x32xf32, #tpu.memory_space<vmem>> -> memref<128x32xf32, #tpu.memory_space<vmem>>
    %dma_start3A_62 = arith.constant 0 : i32
    %dma_start3A_63 = tpu.memref_slice %arg8[%dma_start3A_58, %dma_start3A_62] : memref<4x128xi32, #tpu.memory_space<vmem>> -> memref<1x128xi32, #tpu.memory_space<vmem>>
    %dma_start3A_64 = tpu.memref_squeeze %dma_start3A_63 : memref<1x128xi32, #tpu.memory_space<vmem>> -> memref<128xi32, #tpu.memory_space<vmem>>
    %dma_start3A_65 = arith.constant 0 : i32
    %dma_start3A_66 = arith.constant 0 : i32
    %dma_start3A_67 = tpu.memref_slice %arg3[%dma_start3A_65, %dma_start3A_66] : memref<1000x32xf32, #tpu.memory_space<hbm>> -> memref<1000x32xf32, #tpu.memory_space<hbm>>
    tpu.enqueue_indirect_dma source(%dma_start3A_67 : memref<1000x32xf32, #tpu.memory_space<hbm>>) target(%dma_start3A_61 : memref<128x32xf32, #tpu.memory_space<vmem>>) offsets(%dma_start3A_64 : memref<128xi32, #tpu.memory_space<vmem>>) semaphore(%arg10 : memref<!tpu.dma_semaphore, #tpu.memory_space<semaphore_mem>>)
    %dma_start3A_68 = arith.constant 2 : i32
    %dma_start3A_69 = arith.constant 256 : i32
    %dma_start3A_70 = arith.constant 0 : i32
    %dma_start3A_71 = tpu.memref_slice %arg13[%dma_start3A_69, %dma_start3A_70] : memref<512x32xf32, #tpu.memory_space<vmem>> -> memref<128x32xf32, #tpu.memory_space<vmem>>
    %dma_start3A_72 = arith.constant 0 : i32
    %dma_start3A_73 = tpu.memref_slice %arg12[%dma_start3A_68, %dma_start3A_72] : memref<4x128xi32, #tpu.memory_space<vmem>> -> memref<1x128xi32, #tpu.memory_space<vmem>>
    %dma_start3A_74 = tpu.memref_squeeze %dma_start3A_73 : memref<1x128xi32, #tpu.memory_space<vmem>> -> memref<128xi32, #tpu.memory_space<vmem>>
    %dma_start3A_75 = arith.constant 0 : i32
    %dma_start3A_76 = arith.constant 0 : i32
    %dma_start3A_77 = tpu.memref_slice %arg2[%dma_start3A_75, %dma_start3A_76] : memref<1000000x32xf32, #tpu.memory_space<hbm>> -> memref<1000000x32xf32, #tpu.memory_space<hbm>>
    tpu.enqueue_indirect_dma source(%dma_start3A_77 : memref<1000000x32xf32, #tpu.memory_space<hbm>>) target(%dma_start3A_71 : memref<128x32xf32, #tpu.memory_space<vmem>>) offsets(%dma_start3A_74 : memref<128xi32, #tpu.memory_space<vmem>>) semaphore(%arg10 : memref<!tpu.dma_semaphore, #tpu.memory_space<semaphore_mem>>)
    %dma_start3A_78 = arith.constant 2 : i32
    %dma_start3A_79 = arith.constant 256 : i32
    %dma_start3A_80 = arith.constant 0 : i32
    %dma_start3A_81 = tpu.memref_slice %arg15[%dma_start3A_79, %dma_start3A_80] : memref<512x32xf32, #tpu.memory_space<vmem>> -> memref<128x32xf32, #tpu.memory_space<vmem>>
    %dma_start3A_82 = arith.constant 0 : i32
    %dma_start3A_83 = tpu.memref_slice %arg14[%dma_start3A_78, %dma_start3A_82] : memref<4x128xi32, #tpu.memory_space<vmem>> -> memref<1x128xi32, #tpu.memory_space<vmem>>
    %dma_start3A_84 = tpu.memref_squeeze %dma_start3A_83 : memref<1x128xi32, #tpu.memory_space<vmem>> -> memref<128xi32, #tpu.memory_space<vmem>>
    %dma_start3A_85 = arith.constant 0 : i32
    %dma_start3A_86 = arith.constant 0 : i32
    %dma_start3A_87 = tpu.memref_slice %arg2[%dma_start3A_85, %dma_start3A_86] : memref<1000000x32xf32, #tpu.memory_space<hbm>> -> memref<1000000x32xf32, #tpu.memory_space<hbm>>
    tpu.enqueue_indirect_dma source(%dma_start3A_87 : memref<1000000x32xf32, #tpu.memory_space<hbm>>) target(%dma_start3A_81 : memref<128x32xf32, #tpu.memory_space<vmem>>) offsets(%dma_start3A_84 : memref<128xi32, #tpu.memory_space<vmem>>) semaphore(%arg10 : memref<!tpu.dma_semaphore, #tpu.memory_space<semaphore_mem>>)
    %dma_start3A_88 = arith.constant 2 : i32
    %dma_start3A_89 = arith.constant 256 : i32
    %dma_start3A_90 = arith.constant 0 : i32
    %dma_start3A_91 = tpu.memref_slice %arg9[%dma_start3A_89, %dma_start3A_90] : memref<512x32xf32, #tpu.memory_space<vmem>> -> memref<128x32xf32, #tpu.memory_space<vmem>>
    %dma_start3A_92 = arith.constant 0 : i32
    %dma_start3A_93 = tpu.memref_slice %arg8[%dma_start3A_88, %dma_start3A_92] : memref<4x128xi32, #tpu.memory_space<vmem>> -> memref<1x128xi32, #tpu.memory_space<vmem>>
    %dma_start3A_94 = tpu.memref_squeeze %dma_start3A_93 : memref<1x128xi32, #tpu.memory_space<vmem>> -> memref<128xi32, #tpu.memory_space<vmem>>
    %dma_start3A_95 = arith.constant 0 : i32
    %dma_start3A_96 = arith.constant 0 : i32
    %dma_start3A_97 = tpu.memref_slice %arg3[%dma_start3A_95, %dma_start3A_96] : memref<1000x32xf32, #tpu.memory_space<hbm>> -> memref<1000x32xf32, #tpu.memory_space<hbm>>
    tpu.enqueue_indirect_dma source(%dma_start3A_97 : memref<1000x32xf32, #tpu.memory_space<hbm>>) target(%dma_start3A_91 : memref<128x32xf32, #tpu.memory_space<vmem>>) offsets(%dma_start3A_94 : memref<128xi32, #tpu.memory_space<vmem>>) semaphore(%arg10 : memref<!tpu.dma_semaphore, #tpu.memory_space<semaphore_mem>>)
    %dma_start3A_98 = arith.constant 3 : i32
    %dma_start3A_99 = arith.constant 384 : i32
    %dma_start3A_100 = arith.constant 0 : i32
    %dma_start3A_101 = tpu.memref_slice %arg13[%dma_start3A_99, %dma_start3A_100] : memref<512x32xf32, #tpu.memory_space<vmem>> -> memref<128x32xf32, #tpu.memory_space<vmem>>
    %dma_start3A_102 = arith.constant 0 : i32
    %dma_start3A_103 = tpu.memref_slice %arg12[%dma_start3A_98, %dma_start3A_102] : memref<4x128xi32, #tpu.memory_space<vmem>> -> memref<1x128xi32, #tpu.memory_space<vmem>>
    %dma_start3A_104 = tpu.memref_squeeze %dma_start3A_103 : memref<1x128xi32, #tpu.memory_space<vmem>> -> memref<128xi32, #tpu.memory_space<vmem>>
    %dma_start3A_105 = arith.constant 0 : i32
    %dma_start3A_106 = arith.constant 0 : i32
    %dma_start3A_107 = tpu.memref_slice %arg2[%dma_start3A_105, %dma_start3A_106] : memref<1000000x32xf32, #tpu.memory_space<hbm>> -> memref<1000000x32xf32, #tpu.memory_space<hbm>>
    tpu.enqueue_indirect_dma source(%dma_start3A_107 : memref<1000000x32xf32, #tpu.memory_space<hbm>>) target(%dma_start3A_101 : memref<128x32xf32, #tpu.memory_space<vmem>>) offsets(%dma_start3A_104 : memref<128xi32, #tpu.memory_space<vmem>>) semaphore(%arg10 : memref<!tpu.dma_semaphore, #tpu.memory_space<semaphore_mem>>)
    %dma_start3A_108 = arith.constant 3 : i32
    %dma_start3A_109 = arith.constant 384 : i32
    %dma_start3A_110 = arith.constant 0 : i32
    %dma_start3A_111 = tpu.memref_slice %arg15[%dma_start3A_109, %dma_start3A_110] : memref<512x32xf32, #tpu.memory_space<vmem>> -> memref<128x32xf32, #tpu.memory_space<vmem>>
    %dma_start3A_112 = arith.constant 0 : i32
    %dma_start3A_113 = tpu.memref_slice %arg14[%dma_start3A_108, %dma_start3A_112] : memref<4x128xi32, #tpu.memory_space<vmem>> -> memref<1x128xi32, #tpu.memory_space<vmem>>
    %dma_start3A_114 = tpu.memref_squeeze %dma_start3A_113 : memref<1x128xi32, #tpu.memory_space<vmem>> -> memref<128xi32, #tpu.memory_space<vmem>>
    %dma_start3A_115 = arith.constant 0 : i32
    %dma_start3A_116 = arith.constant 0 : i32
    %dma_start3A_117 = tpu.memref_slice %arg2[%dma_start3A_115, %dma_start3A_116] : memref<1000000x32xf32, #tpu.memory_space<hbm>> -> memref<1000000x32xf32, #tpu.memory_space<hbm>>
    tpu.enqueue_indirect_dma source(%dma_start3A_117 : memref<1000000x32xf32, #tpu.memory_space<hbm>>) target(%dma_start3A_111 : memref<128x32xf32, #tpu.memory_space<vmem>>) offsets(%dma_start3A_114 : memref<128xi32, #tpu.memory_space<vmem>>) semaphore(%arg10 : memref<!tpu.dma_semaphore, #tpu.memory_space<semaphore_mem>>)
    %dma_start3A_118 = arith.constant 3 : i32
    %dma_start3A_119 = arith.constant 384 : i32
    %dma_start3A_120 = arith.constant 0 : i32
    %dma_start3A_121 = tpu.memref_slice %arg9[%dma_start3A_119, %dma_start3A_120] : memref<512x32xf32, #tpu.memory_space<vmem>> -> memref<128x32xf32, #tpu.memory_space<vmem>>
    %dma_start3A_122 = arith.constant 0 : i32
    %dma_start3A_123 = tpu.memref_slice %arg8[%dma_start3A_118, %dma_start3A_122] : memref<4x128xi32, #tpu.memory_space<vmem>> -> memref<1x128xi32, #tpu.memory_space<vmem>>
    %dma_start3A_124 = tpu.memref_squeeze %dma_start3A_123 : memref<1x128xi32, #tpu.memory_space<vmem>> -> memref<128xi32, #tpu.memory_space<vmem>>
    %dma_start3A_125 = arith.constant 0 : i32
    %dma_start3A_126 = arith.constant 0 : i32
    %dma_start3A_127 = tpu.memref_slice %arg3[%dma_start3A_125, %dma_start3A_126] : memref<1000x32xf32, #tpu.memory_space<hbm>> -> memref<1000x32xf32, #tpu.memory_space<hbm>>
    tpu.enqueue_indirect_dma source(%dma_start3A_127 : memref<1000x32xf32, #tpu.memory_space<hbm>>) target(%dma_start3A_121 : memref<128x32xf32, #tpu.memory_space<vmem>>) offsets(%dma_start3A_124 : memref<128xi32, #tpu.memory_space<vmem>>) semaphore(%arg10 : memref<!tpu.dma_semaphore, #tpu.memory_space<semaphore_mem>>)
    %dma_wait3A = arith.constant 0 : i32
    %dma_wait3A_128 = arith.constant 0 : i32
    %dma_wait3A_129 = arith.constant 0 : i32
    %dma_wait3A_130 = tpu.memref_slice %arg13[%dma_wait3A_128, %dma_wait3A_129] : memref<512x32xf32, #tpu.memory_space<vmem>> -> memref<128x32xf32, #tpu.memory_space<vmem>>
    %dma_wait3A_131 = arith.constant 0 : i32
    %dma_wait3A_132 = tpu.memref_slice %arg12[%dma_wait3A, %dma_wait3A_131] : memref<4x128xi32, #tpu.memory_space<vmem>> -> memref<1x128xi32, #tpu.memory_space<vmem>>
    %dma_wait3A_133 = tpu.memref_squeeze %dma_wait3A_132 : memref<1x128xi32, #tpu.memory_space<vmem>> -> memref<128xi32, #tpu.memory_space<vmem>>
    %dma_wait3A_134 = arith.constant 0 : i32
    %dma_wait3A_135 = arith.constant 0 : i32
    %dma_wait3A_136 = tpu.memref_slice %arg2[%dma_wait3A_134, %dma_wait3A_135] : memref<1000000x32xf32, #tpu.memory_space<hbm>> -> memref<1000000x32xf32, #tpu.memory_space<hbm>>
    tpu.wait_indirect_dma semaphore(%arg10 : memref<!tpu.dma_semaphore, #tpu.memory_space<semaphore_mem>>) src(%dma_wait3A_136 : memref<1000000x32xf32, #tpu.memory_space<hbm>>) dst(%dma_wait3A_130 : memref<128x32xf32, #tpu.memory_space<vmem>>)
    %dma_wait3A_137 = arith.constant 0 : i32
    %dma_wait3A_138 = arith.constant 0 : i32
    %dma_wait3A_139 = arith.constant 0 : i32
    %dma_wait3A_140 = tpu.memref_slice %arg15[%dma_wait3A_138, %dma_wait3A_139] : memref<512x32xf32, #tpu.memory_space<vmem>> -> memref<128x32xf32, #tpu.memory_space<vmem>>
    %dma_wait3A_141 = arith.constant 0 : i32
    %dma_wait3A_142 = tpu.memref_slice %arg14[%dma_wait3A_137, %dma_wait3A_141] : memref<4x128xi32, #tpu.memory_space<vmem>> -> memref<1x128xi32, #tpu.memory_space<vmem>>
    %dma_wait3A_143 = tpu.memref_squeeze %dma_wait3A_142 : memref<1x128xi32, #tpu.memory_space<vmem>> -> memref<128xi32, #tpu.memory_space<vmem>>
    %dma_wait3A_144 = arith.constant 0 : i32
    %dma_wait3A_145 = arith.constant 0 : i32
    %dma_wait3A_146 = tpu.memref_slice %arg2[%dma_wait3A_144, %dma_wait3A_145] : memref<1000000x32xf32, #tpu.memory_space<hbm>> -> memref<1000000x32xf32, #tpu.memory_space<hbm>>
    tpu.wait_indirect_dma semaphore(%arg10 : memref<!tpu.dma_semaphore, #tpu.memory_space<semaphore_mem>>) src(%dma_wait3A_146 : memref<1000000x32xf32, #tpu.memory_space<hbm>>) dst(%dma_wait3A_140 : memref<128x32xf32, #tpu.memory_space<vmem>>)
    %dma_wait3A_147 = arith.constant 0 : i32
    %dma_wait3A_148 = arith.constant 0 : i32
    %dma_wait3A_149 = arith.constant 0 : i32
    %dma_wait3A_150 = tpu.memref_slice %arg9[%dma_wait3A_148, %dma_wait3A_149] : memref<512x32xf32, #tpu.memory_space<vmem>> -> memref<128x32xf32, #tpu.memory_space<vmem>>
    %dma_wait3A_151 = arith.constant 0 : i32
    %dma_wait3A_152 = tpu.memref_slice %arg8[%dma_wait3A_147, %dma_wait3A_151] : memref<4x128xi32, #tpu.memory_space<vmem>> -> memref<1x128xi32, #tpu.memory_space<vmem>>
    %dma_wait3A_153 = tpu.memref_squeeze %dma_wait3A_152 : memref<1x128xi32, #tpu.memory_space<vmem>> -> memref<128xi32, #tpu.memory_space<vmem>>
    %dma_wait3A_154 = arith.constant 0 : i32
    %dma_wait3A_155 = arith.constant 0 : i32
    %dma_wait3A_156 = tpu.memref_slice %arg3[%dma_wait3A_154, %dma_wait3A_155] : memref<1000x32xf32, #tpu.memory_space<hbm>> -> memref<1000x32xf32, #tpu.memory_space<hbm>>
    tpu.wait_indirect_dma semaphore(%arg10 : memref<!tpu.dma_semaphore, #tpu.memory_space<semaphore_mem>>) src(%dma_wait3A_156 : memref<1000x32xf32, #tpu.memory_space<hbm>>) dst(%dma_wait3A_150 : memref<128x32xf32, #tpu.memory_space<vmem>>)
    %dma_wait3A_157 = arith.constant 1 : i32
    %dma_wait3A_158 = arith.constant 128 : i32
    %dma_wait3A_159 = arith.constant 0 : i32
    %dma_wait3A_160 = tpu.memref_slice %arg13[%dma_wait3A_158, %dma_wait3A_159] : memref<512x32xf32, #tpu.memory_space<vmem>> -> memref<128x32xf32, #tpu.memory_space<vmem>>
    %dma_wait3A_161 = arith.constant 0 : i32
    %dma_wait3A_162 = tpu.memref_slice %arg12[%dma_wait3A_157, %dma_wait3A_161] : memref<4x128xi32, #tpu.memory_space<vmem>> -> memref<1x128xi32, #tpu.memory_space<vmem>>
    %dma_wait3A_163 = tpu.memref_squeeze %dma_wait3A_162 : memref<1x128xi32, #tpu.memory_space<vmem>> -> memref<128xi32, #tpu.memory_space<vmem>>
    %dma_wait3A_164 = arith.constant 0 : i32
    %dma_wait3A_165 = arith.constant 0 : i32
    %dma_wait3A_166 = tpu.memref_slice %arg2[%dma_wait3A_164, %dma_wait3A_165] : memref<1000000x32xf32, #tpu.memory_space<hbm>> -> memref<1000000x32xf32, #tpu.memory_space<hbm>>
    tpu.wait_indirect_dma semaphore(%arg10 : memref<!tpu.dma_semaphore, #tpu.memory_space<semaphore_mem>>) src(%dma_wait3A_166 : memref<1000000x32xf32, #tpu.memory_space<hbm>>) dst(%dma_wait3A_160 : memref<128x32xf32, #tpu.memory_space<vmem>>)
    %dma_wait3A_167 = arith.constant 1 : i32
    %dma_wait3A_168 = arith.constant 128 : i32
    %dma_wait3A_169 = arith.constant 0 : i32
    %dma_wait3A_170 = tpu.memref_slice %arg15[%dma_wait3A_168, %dma_wait3A_169] : memref<512x32xf32, #tpu.memory_space<vmem>> -> memref<128x32xf32, #tpu.memory_space<vmem>>
    %dma_wait3A_171 = arith.constant 0 : i32
    %dma_wait3A_172 = tpu.memref_slice %arg14[%dma_wait3A_167, %dma_wait3A_171] : memref<4x128xi32, #tpu.memory_space<vmem>> -> memref<1x128xi32, #tpu.memory_space<vmem>>
    %dma_wait3A_173 = tpu.memref_squeeze %dma_wait3A_172 : memref<1x128xi32, #tpu.memory_space<vmem>> -> memref<128xi32, #tpu.memory_space<vmem>>
    %dma_wait3A_174 = arith.constant 0 : i32
    %dma_wait3A_175 = arith.constant 0 : i32
    %dma_wait3A_176 = tpu.memref_slice %arg2[%dma_wait3A_174, %dma_wait3A_175] : memref<1000000x32xf32, #tpu.memory_space<hbm>> -> memref<1000000x32xf32, #tpu.memory_space<hbm>>
    tpu.wait_indirect_dma semaphore(%arg10 : memref<!tpu.dma_semaphore, #tpu.memory_space<semaphore_mem>>) src(%dma_wait3A_176 : memref<1000000x32xf32, #tpu.memory_space<hbm>>) dst(%dma_wait3A_170 : memref<128x32xf32, #tpu.memory_space<vmem>>)
    %dma_wait3A_177 = arith.constant 1 : i32
    %dma_wait3A_178 = arith.constant 128 : i32
    %dma_wait3A_179 = arith.constant 0 : i32
    %dma_wait3A_180 = tpu.memref_slice %arg9[%dma_wait3A_178, %dma_wait3A_179] : memref<512x32xf32, #tpu.memory_space<vmem>> -> memref<128x32xf32, #tpu.memory_space<vmem>>
    %dma_wait3A_181 = arith.constant 0 : i32
    %dma_wait3A_182 = tpu.memref_slice %arg8[%dma_wait3A_177, %dma_wait3A_181] : memref<4x128xi32, #tpu.memory_space<vmem>> -> memref<1x128xi32, #tpu.memory_space<vmem>>
    %dma_wait3A_183 = tpu.memref_squeeze %dma_wait3A_182 : memref<1x128xi32, #tpu.memory_space<vmem>> -> memref<128xi32, #tpu.memory_space<vmem>>
    %dma_wait3A_184 = arith.constant 0 : i32
    %dma_wait3A_185 = arith.constant 0 : i32
    %dma_wait3A_186 = tpu.memref_slice %arg3[%dma_wait3A_184, %dma_wait3A_185] : memref<1000x32xf32, #tpu.memory_space<hbm>> -> memref<1000x32xf32, #tpu.memory_space<hbm>>
    tpu.wait_indirect_dma semaphore(%arg10 : memref<!tpu.dma_semaphore, #tpu.memory_space<semaphore_mem>>) src(%dma_wait3A_186 : memref<1000x32xf32, #tpu.memory_space<hbm>>) dst(%dma_wait3A_180 : memref<128x32xf32, #tpu.memory_space<vmem>>)
    %dma_wait3A_187 = arith.constant 2 : i32
    %dma_wait3A_188 = arith.constant 256 : i32
    %dma_wait3A_189 = arith.constant 0 : i32
    %dma_wait3A_190 = tpu.memref_slice %arg13[%dma_wait3A_188, %dma_wait3A_189] : memref<512x32xf32, #tpu.memory_space<vmem>> -> memref<128x32xf32, #tpu.memory_space<vmem>>
    %dma_wait3A_191 = arith.constant 0 : i32
    %dma_wait3A_192 = tpu.memref_slice %arg12[%dma_wait3A_187, %dma_wait3A_191] : memref<4x128xi32, #tpu.memory_space<vmem>> -> memref<1x128xi32, #tpu.memory_space<vmem>>
    %dma_wait3A_193 = tpu.memref_squeeze %dma_wait3A_192 : memref<1x128xi32, #tpu.memory_space<vmem>> -> memref<128xi32, #tpu.memory_space<vmem>>
    %dma_wait3A_194 = arith.constant 0 : i32
    %dma_wait3A_195 = arith.constant 0 : i32
    %dma_wait3A_196 = tpu.memref_slice %arg2[%dma_wait3A_194, %dma_wait3A_195] : memref<1000000x32xf32, #tpu.memory_space<hbm>> -> memref<1000000x32xf32, #tpu.memory_space<hbm>>
    tpu.wait_indirect_dma semaphore(%arg10 : memref<!tpu.dma_semaphore, #tpu.memory_space<semaphore_mem>>) src(%dma_wait3A_196 : memref<1000000x32xf32, #tpu.memory_space<hbm>>) dst(%dma_wait3A_190 : memref<128x32xf32, #tpu.memory_space<vmem>>)
    %dma_wait3A_197 = arith.constant 2 : i32
    %dma_wait3A_198 = arith.constant 256 : i32
    %dma_wait3A_199 = arith.constant 0 : i32
    %dma_wait3A_200 = tpu.memref_slice %arg15[%dma_wait3A_198, %dma_wait3A_199] : memref<512x32xf32, #tpu.memory_space<vmem>> -> memref<128x32xf32, #tpu.memory_space<vmem>>
    %dma_wait3A_201 = arith.constant 0 : i32
    %dma_wait3A_202 = tpu.memref_slice %arg14[%dma_wait3A_197, %dma_wait3A_201] : memref<4x128xi32, #tpu.memory_space<vmem>> -> memref<1x128xi32, #tpu.memory_space<vmem>>
    %dma_wait3A_203 = tpu.memref_squeeze %dma_wait3A_202 : memref<1x128xi32, #tpu.memory_space<vmem>> -> memref<128xi32, #tpu.memory_space<vmem>>
    %dma_wait3A_204 = arith.constant 0 : i32
    %dma_wait3A_205 = arith.constant 0 : i32
    %dma_wait3A_206 = tpu.memref_slice %arg2[%dma_wait3A_204, %dma_wait3A_205] : memref<1000000x32xf32, #tpu.memory_space<hbm>> -> memref<1000000x32xf32, #tpu.memory_space<hbm>>
    tpu.wait_indirect_dma semaphore(%arg10 : memref<!tpu.dma_semaphore, #tpu.memory_space<semaphore_mem>>) src(%dma_wait3A_206 : memref<1000000x32xf32, #tpu.memory_space<hbm>>) dst(%dma_wait3A_200 : memref<128x32xf32, #tpu.memory_space<vmem>>)
    %dma_wait3A_207 = arith.constant 2 : i32
    %dma_wait3A_208 = arith.constant 256 : i32
    %dma_wait3A_209 = arith.constant 0 : i32
    %dma_wait3A_210 = tpu.memref_slice %arg9[%dma_wait3A_208, %dma_wait3A_209] : memref<512x32xf32, #tpu.memory_space<vmem>> -> memref<128x32xf32, #tpu.memory_space<vmem>>
    %dma_wait3A_211 = arith.constant 0 : i32
    %dma_wait3A_212 = tpu.memref_slice %arg8[%dma_wait3A_207, %dma_wait3A_211] : memref<4x128xi32, #tpu.memory_space<vmem>> -> memref<1x128xi32, #tpu.memory_space<vmem>>
    %dma_wait3A_213 = tpu.memref_squeeze %dma_wait3A_212 : memref<1x128xi32, #tpu.memory_space<vmem>> -> memref<128xi32, #tpu.memory_space<vmem>>
    %dma_wait3A_214 = arith.constant 0 : i32
    %dma_wait3A_215 = arith.constant 0 : i32
    %dma_wait3A_216 = tpu.memref_slice %arg3[%dma_wait3A_214, %dma_wait3A_215] : memref<1000x32xf32, #tpu.memory_space<hbm>> -> memref<1000x32xf32, #tpu.memory_space<hbm>>
    tpu.wait_indirect_dma semaphore(%arg10 : memref<!tpu.dma_semaphore, #tpu.memory_space<semaphore_mem>>) src(%dma_wait3A_216 : memref<1000x32xf32, #tpu.memory_space<hbm>>) dst(%dma_wait3A_210 : memref<128x32xf32, #tpu.memory_space<vmem>>)
    %dma_wait3A_217 = arith.constant 3 : i32
    %dma_wait3A_218 = arith.constant 384 : i32
    %dma_wait3A_219 = arith.constant 0 : i32
    %dma_wait3A_220 = tpu.memref_slice %arg13[%dma_wait3A_218, %dma_wait3A_219] : memref<512x32xf32, #tpu.memory_space<vmem>> -> memref<128x32xf32, #tpu.memory_space<vmem>>
    %dma_wait3A_221 = arith.constant 0 : i32
    %dma_wait3A_222 = tpu.memref_slice %arg12[%dma_wait3A_217, %dma_wait3A_221] : memref<4x128xi32, #tpu.memory_space<vmem>> -> memref<1x128xi32, #tpu.memory_space<vmem>>
    %dma_wait3A_223 = tpu.memref_squeeze %dma_wait3A_222 : memref<1x128xi32, #tpu.memory_space<vmem>> -> memref<128xi32, #tpu.memory_space<vmem>>
    %dma_wait3A_224 = arith.constant 0 : i32
    %dma_wait3A_225 = arith.constant 0 : i32
    %dma_wait3A_226 = tpu.memref_slice %arg2[%dma_wait3A_224, %dma_wait3A_225] : memref<1000000x32xf32, #tpu.memory_space<hbm>> -> memref<1000000x32xf32, #tpu.memory_space<hbm>>
    tpu.wait_indirect_dma semaphore(%arg10 : memref<!tpu.dma_semaphore, #tpu.memory_space<semaphore_mem>>) src(%dma_wait3A_226 : memref<1000000x32xf32, #tpu.memory_space<hbm>>) dst(%dma_wait3A_220 : memref<128x32xf32, #tpu.memory_space<vmem>>)
    %dma_wait3A_227 = arith.constant 3 : i32
    %dma_wait3A_228 = arith.constant 384 : i32
    %dma_wait3A_229 = arith.constant 0 : i32
    %dma_wait3A_230 = tpu.memref_slice %arg15[%dma_wait3A_228, %dma_wait3A_229] : memref<512x32xf32, #tpu.memory_space<vmem>> -> memref<128x32xf32, #tpu.memory_space<vmem>>
    %dma_wait3A_231 = arith.constant 0 : i32
    %dma_wait3A_232 = tpu.memref_slice %arg14[%dma_wait3A_227, %dma_wait3A_231] : memref<4x128xi32, #tpu.memory_space<vmem>> -> memref<1x128xi32, #tpu.memory_space<vmem>>
    %dma_wait3A_233 = tpu.memref_squeeze %dma_wait3A_232 : memref<1x128xi32, #tpu.memory_space<vmem>> -> memref<128xi32, #tpu.memory_space<vmem>>
    %dma_wait3A_234 = arith.constant 0 : i32
    %dma_wait3A_235 = arith.constant 0 : i32
    %dma_wait3A_236 = tpu.memref_slice %arg2[%dma_wait3A_234, %dma_wait3A_235] : memref<1000000x32xf32, #tpu.memory_space<hbm>> -> memref<1000000x32xf32, #tpu.memory_space<hbm>>
    tpu.wait_indirect_dma semaphore(%arg10 : memref<!tpu.dma_semaphore, #tpu.memory_space<semaphore_mem>>) src(%dma_wait3A_236 : memref<1000000x32xf32, #tpu.memory_space<hbm>>) dst(%dma_wait3A_230 : memref<128x32xf32, #tpu.memory_space<vmem>>)
    %dma_wait3A_237 = arith.constant 3 : i32
    %dma_wait3A_238 = arith.constant 384 : i32
    %dma_wait3A_239 = arith.constant 0 : i32
    %dma_wait3A_240 = tpu.memref_slice %arg9[%dma_wait3A_238, %dma_wait3A_239] : memref<512x32xf32, #tpu.memory_space<vmem>> -> memref<128x32xf32, #tpu.memory_space<vmem>>
    %dma_wait3A_241 = arith.constant 0 : i32
    %dma_wait3A_242 = tpu.memref_slice %arg8[%dma_wait3A_237, %dma_wait3A_241] : memref<4x128xi32, #tpu.memory_space<vmem>> -> memref<1x128xi32, #tpu.memory_space<vmem>>
    %dma_wait3A_243 = tpu.memref_squeeze %dma_wait3A_242 : memref<1x128xi32, #tpu.memory_space<vmem>> -> memref<128xi32, #tpu.memory_space<vmem>>
    %dma_wait3A_244 = arith.constant 0 : i32
    %dma_wait3A_245 = arith.constant 0 : i32
    %dma_wait3A_246 = tpu.memref_slice %arg3[%dma_wait3A_244, %dma_wait3A_245] : memref<1000x32xf32, #tpu.memory_space<hbm>> -> memref<1000x32xf32, #tpu.memory_space<hbm>>
    tpu.wait_indirect_dma semaphore(%arg10 : memref<!tpu.dma_semaphore, #tpu.memory_space<semaphore_mem>>) src(%dma_wait3A_246 : memref<1000x32xf32, #tpu.memory_space<hbm>>) dst(%dma_wait3A_240 : memref<128x32xf32, #tpu.memory_space<vmem>>)
    %iota3A = tpu.iota {dimensions = array<i32: 0>} : vector<16xi32>
    %parallel_loop3A = arith.constant 0 : i32
    %parallel_loop3A_247 = arith.constant 32 : i32
    %parallel_loop3A_248 = arith.constant 1 : i32
    scf.for %parallel_loop3A_249 = %parallel_loop3A to %parallel_loop3A_247 step %parallel_loop3A_248  : i32 {
      %parallel_loop3A_250 = arith.constant 16 : i32
      %parallel_loop3A_251 = arith.muli %parallel_loop3A_249, %parallel_loop3A_250 : i32
      %parallel_loop3A_252 = arith.constant 0.000000e+00 : f32
      %parallel_loop3A_253 = vector.broadcast %parallel_loop3A_252 : f32 to vector<16xf32>
      %parallel_loop3A_254 = arith.constant 0 : i32
      %parallel_loop3A_255 = arith.addi %parallel_loop3A_251, %parallel_loop3A_254 : i32
      %parallel_loop3A_256 = arith.index_cast %parallel_loop3A_255 : i32 to index
      %parallel_loop3A_257 = arith.constant 0 : index
      %parallel_loop3A_258 = tpu.vector_load %arg13[%parallel_loop3A_256, %parallel_loop3A_257] {strides = array<i32>} : memref<512x32xf32, #tpu.memory_space<vmem>>, vector<16xf32>,
      %parallel_loop3A_259 = arith.index_cast %parallel_loop3A_255 : i32 to index
      %parallel_loop3A_260 = arith.constant 16 : index
      %parallel_loop3A_261 = tpu.vector_load %arg13[%parallel_loop3A_259, %parallel_loop3A_260] {strides = array<i32>} : memref<512x32xf32, #tpu.memory_space<vmem>>, vector<16xf32>,
      %parallel_loop3A_262 = arith.index_cast %parallel_loop3A_255 : i32 to index
      %parallel_loop3A_263 = arith.constant 0 : index
      %parallel_loop3A_264 = tpu.vector_load %arg9[%parallel_loop3A_262, %parallel_loop3A_263] {strides = array<i32>} : memref<512x32xf32, #tpu.memory_space<vmem>>, vector<16xf32>,
      %parallel_loop3A_265 = arith.index_cast %parallel_loop3A_255 : i32 to index
      %parallel_loop3A_266 = arith.constant 16 : index
      %parallel_loop3A_267 = tpu.vector_load %arg9[%parallel_loop3A_265, %parallel_loop3A_266] {strides = array<i32>} : memref<512x32xf32, #tpu.memory_space<vmem>>, vector<16xf32>,
      %parallel_loop3A_268 = arith.index_cast %parallel_loop3A_255 : i32 to index
      %parallel_loop3A_269 = arith.constant 0 : index
      %parallel_loop3A_270 = tpu.vector_load %arg15[%parallel_loop3A_268, %parallel_loop3A_269] {strides = array<i32>} : memref<512x32xf32, #tpu.memory_space<vmem>>, vector<16xf32>,
      %parallel_loop3A_271 = arith.index_cast %parallel_loop3A_255 : i32 to index
      %parallel_loop3A_272 = arith.constant 16 : index
      %parallel_loop3A_273 = tpu.vector_load %arg15[%parallel_loop3A_271, %parallel_loop3A_272] {strides = array<i32>} : memref<512x32xf32, #tpu.memory_space<vmem>>, vector<16xf32>,
      %parallel_loop3A_274 = arith.addf %parallel_loop3A_258, %parallel_loop3A_264 : vector<16xf32>
      %parallel_loop3A_275 = arith.subf %parallel_loop3A_274, %parallel_loop3A_270 : vector<16xf32>
      %parallel_loop3A_276 = arith.addf %parallel_loop3A_261, %parallel_loop3A_267 : vector<16xf32>
      %parallel_loop3A_277 = arith.subf %parallel_loop3A_276, %parallel_loop3A_273 : vector<16xf32>
      %parallel_loop3A_278 = arith.mulf %parallel_loop3A_275, %parallel_loop3A_275 : vector<16xf32>
      %parallel_loop3A_279 = arith.mulf %parallel_loop3A_277, %parallel_loop3A_277 : vector<16xf32>
      %parallel_loop3A_280 = arith.addf %parallel_loop3A_278, %parallel_loop3A_279 : vector<16xf32>
      %parallel_loop3A_281 = arith.constant 0 : i32
      %parallel_loop3A_282 = vector.broadcast %parallel_loop3A_281 : i32 to vector<16xi32>
      %parallel_loop3A_283 = arith.cmpi eq, %iota3A, %parallel_loop3A_282 : vector<16xi32>
      %parallel_loop3A_284 = arith.constant true
      %parallel_loop3A_285 = vector.broadcast %parallel_loop3A_284 : i1 to vector<16xi1>
      %parallel_loop3A_286 = tpu.scan <sum>, %parallel_loop3A_280 masked %parallel_loop3A_285 : vector<16xf32>, vector<16xi1> -> vector<16xf32>
      %parallel_loop3A_287 = vector.extract_strided_slice %parallel_loop3A_286 {offsets = [15], sizes = [1], strides = [1]} : vector<16xf32> to vector<1xf32>
      %parallel_loop3A_288 = vector.extract %parallel_loop3A_287[0] : f32 from vector<1xf32>
      %parallel_loop3A_289 = vector.broadcast %parallel_loop3A_288 : f32 to vector<16xf32>
      %parallel_loop3A_290 = arith.select %parallel_loop3A_283, %parallel_loop3A_289, %parallel_loop3A_253 : vector<16xi1>, vector<16xf32>
      %parallel_loop3A_291 = arith.constant 1 : i32
      %parallel_loop3A_292 = arith.addi %parallel_loop3A_251, %parallel_loop3A_291 : i32
      %parallel_loop3A_293 = arith.index_cast %parallel_loop3A_292 : i32 to index
      %parallel_loop3A_294 = arith.constant 0 : index
      %parallel_loop3A_295 = tpu.vector_load %arg13[%parallel_loop3A_293, %parallel_loop3A_294] {strides = array<i32>} : memref<512x32xf32, #tpu.memory_space<vmem>>, vector<16xf32>,
      %parallel_loop3A_296 = arith.index_cast %parallel_loop3A_292 : i32 to index
      %parallel_loop3A_297 = arith.constant 16 : index
      %parallel_loop3A_298 = tpu.vector_load %arg13[%parallel_loop3A_296, %parallel_loop3A_297] {strides = array<i32>} : memref<512x32xf32, #tpu.memory_space<vmem>>, vector<16xf32>,
      %parallel_loop3A_299 = arith.index_cast %parallel_loop3A_292 : i32 to index
      %parallel_loop3A_300 = arith.constant 0 : index
      %parallel_loop3A_301 = tpu.vector_load %arg9[%parallel_loop3A_299, %parallel_loop3A_300] {strides = array<i32>} : memref<512x32xf32, #tpu.memory_space<vmem>>, vector<16xf32>,
      %parallel_loop3A_302 = arith.index_cast %parallel_loop3A_292 : i32 to index
      %parallel_loop3A_303 = arith.constant 16 : index
      %parallel_loop3A_304 = tpu.vector_load %arg9[%parallel_loop3A_302, %parallel_loop3A_303] {strides = array<i32>} : memref<512x32xf32, #tpu.memory_space<vmem>>, vector<16xf32>,
      %parallel_loop3A_305 = arith.index_cast %parallel_loop3A_292 : i32 to index
      %parallel_loop3A_306 = arith.constant 0 : index
      %parallel_loop3A_307 = tpu.vector_load %arg15[%parallel_loop3A_305, %parallel_loop3A_306] {strides = array<i32>} : memref<512x32xf32, #tpu.memory_space<vmem>>, vector<16xf32>,
      %parallel_loop3A_308 = arith.index_cast %parallel_loop3A_292 : i32 to index
      %parallel_loop3A_309 = arith.constant 16 : index
      %parallel_loop3A_310 = tpu.vector_load %arg15[%parallel_loop3A_308, %parallel_loop3A_309] {strides = array<i32>} : memref<512x32xf32, #tpu.memory_space<vmem>>, vector<16xf32>,
      %parallel_loop3A_311 = arith.addf %parallel_loop3A_295, %parallel_loop3A_301 : vector<16xf32>
      %parallel_loop3A_312 = arith.subf %parallel_loop3A_311, %parallel_loop3A_307 : vector<16xf32>
      %parallel_loop3A_313 = arith.addf %parallel_loop3A_298, %parallel_loop3A_304 : vector<16xf32>
      %parallel_loop3A_314 = arith.subf %parallel_loop3A_313, %parallel_loop3A_310 : vector<16xf32>
      %parallel_loop3A_315 = arith.mulf %parallel_loop3A_312, %parallel_loop3A_312 : vector<16xf32>
      %parallel_loop3A_316 = arith.mulf %parallel_loop3A_314, %parallel_loop3A_314 : vector<16xf32>
      %parallel_loop3A_317 = arith.addf %parallel_loop3A_315, %parallel_loop3A_316 : vector<16xf32>
      %parallel_loop3A_318 = arith.constant 1 : i32
      %parallel_loop3A_319 = vector.broadcast %parallel_loop3A_318 : i32 to vector<16xi32>
      %parallel_loop3A_320 = arith.cmpi eq, %iota3A, %parallel_loop3A_319 : vector<16xi32>
      %parallel_loop3A_321 = arith.constant true
      %parallel_loop3A_322 = vector.broadcast %parallel_loop3A_321 : i1 to vector<16xi1>
      %parallel_loop3A_323 = tpu.scan <sum>, %parallel_loop3A_317 masked %parallel_loop3A_322 : vector<16xf32>, vector<16xi1> -> vector<16xf32>
      %parallel_loop3A_324 = vector.extract_strided_slice %parallel_loop3A_323 {offsets = [15], sizes = [1], strides = [1]} : vector<16xf32> to vector<1xf32>
      %parallel_loop3A_325 = vector.extract %parallel_loop3A_324[0] : f32 from vector<1xf32>
      %parallel_loop3A_326 = vector.broadcast %parallel_loop3A_325 : f32 to vector<16xf32>
      %parallel_loop3A_327 = arith.select %parallel_loop3A_320, %parallel_loop3A_326, %parallel_loop3A_290 : vector<16xi1>, vector<16xf32>
      %parallel_loop3A_328 = arith.constant 2 : i32
      %parallel_loop3A_329 = arith.addi %parallel_loop3A_251, %parallel_loop3A_328 : i32
      %parallel_loop3A_330 = arith.index_cast %parallel_loop3A_329 : i32 to index
      %parallel_loop3A_331 = arith.constant 0 : index
      %parallel_loop3A_332 = tpu.vector_load %arg13[%parallel_loop3A_330, %parallel_loop3A_331] {strides = array<i32>} : memref<512x32xf32, #tpu.memory_space<vmem>>, vector<16xf32>,
      %parallel_loop3A_333 = arith.index_cast %parallel_loop3A_329 : i32 to index
      %parallel_loop3A_334 = arith.constant 16 : index
      %parallel_loop3A_335 = tpu.vector_load %arg13[%parallel_loop3A_333, %parallel_loop3A_334] {strides = array<i32>} : memref<512x32xf32, #tpu.memory_space<vmem>>, vector<16xf32>,
      %parallel_loop3A_336 = arith.index_cast %parallel_loop3A_329 : i32 to index
      %parallel_loop3A_337 = arith.constant 0 : index
      %parallel_loop3A_338 = tpu.vector_load %arg9[%parallel_loop3A_336, %parallel_loop3A_337] {strides = array<i32>} : memref<512x32xf32, #tpu.memory_space<vmem>>, vector<16xf32>,
      %parallel_loop3A_339 = arith.index_cast %parallel_loop3A_329 : i32 to index
      %parallel_loop3A_340 = arith.constant 16 : index
      %parallel_loop3A_341 = tpu.vector_load %arg9[%parallel_loop3A_339, %parallel_loop3A_340] {strides = array<i32>} : memref<512x32xf32, #tpu.memory_space<vmem>>, vector<16xf32>,
      %parallel_loop3A_342 = arith.index_cast %parallel_loop3A_329 : i32 to index
      %parallel_loop3A_343 = arith.constant 0 : index
      %parallel_loop3A_344 = tpu.vector_load %arg15[%parallel_loop3A_342, %parallel_loop3A_343] {strides = array<i32>} : memref<512x32xf32, #tpu.memory_space<vmem>>, vector<16xf32>,
      %parallel_loop3A_345 = arith.index_cast %parallel_loop3A_329 : i32 to index
      %parallel_loop3A_346 = arith.constant 16 : index
      %parallel_loop3A_347 = tpu.vector_load %arg15[%parallel_loop3A_345, %parallel_loop3A_346] {strides = array<i32>} : memref<512x32xf32, #tpu.memory_space<vmem>>, vector<16xf32>,
      %parallel_loop3A_348 = arith.addf %parallel_loop3A_332, %parallel_loop3A_338 : vector<16xf32>
      %parallel_loop3A_349 = arith.subf %parallel_loop3A_348, %parallel_loop3A_344 : vector<16xf32>
      %parallel_loop3A_350 = arith.addf %parallel_loop3A_335, %parallel_loop3A_341 : vector<16xf32>
      %parallel_loop3A_351 = arith.subf %parallel_loop3A_350, %parallel_loop3A_347 : vector<16xf32>
      %parallel_loop3A_352 = arith.mulf %parallel_loop3A_349, %parallel_loop3A_349 : vector<16xf32>
      %parallel_loop3A_353 = arith.mulf %parallel_loop3A_351, %parallel_loop3A_351 : vector<16xf32>
      %parallel_loop3A_354 = arith.addf %parallel_loop3A_352, %parallel_loop3A_353 : vector<16xf32>
      %parallel_loop3A_355 = arith.constant 2 : i32
      %parallel_loop3A_356 = vector.broadcast %parallel_loop3A_355 : i32 to vector<16xi32>
      %parallel_loop3A_357 = arith.cmpi eq, %iota3A, %parallel_loop3A_356 : vector<16xi32>
      %parallel_loop3A_358 = arith.constant true
      %parallel_loop3A_359 = vector.broadcast %parallel_loop3A_358 : i1 to vector<16xi1>
      %parallel_loop3A_360 = tpu.scan <sum>, %parallel_loop3A_354 masked %parallel_loop3A_359 : vector<16xf32>, vector<16xi1> -> vector<16xf32>
      %parallel_loop3A_361 = vector.extract_strided_slice %parallel_loop3A_360 {offsets = [15], sizes = [1], strides = [1]} : vector<16xf32> to vector<1xf32>
      %parallel_loop3A_362 = vector.extract %parallel_loop3A_361[0] : f32 from vector<1xf32>
      %parallel_loop3A_363 = vector.broadcast %parallel_loop3A_362 : f32 to vector<16xf32>
      %parallel_loop3A_364 = arith.select %parallel_loop3A_357, %parallel_loop3A_363, %parallel_loop3A_327 : vector<16xi1>, vector<16xf32>
      %parallel_loop3A_365 = arith.constant 3 : i32
      %parallel_loop3A_366 = arith.addi %parallel_loop3A_251, %parallel_loop3A_365 : i32
      %parallel_loop3A_367 = arith.index_cast %parallel_loop3A_366 : i32 to index
      %parallel_loop3A_368 = arith.constant 0 : index
      %parallel_loop3A_369 = tpu.vector_load %arg13[%parallel_loop3A_367, %parallel_loop3A_368] {strides = array<i32>} : memref<512x32xf32, #tpu.memory_space<vmem>>, vector<16xf32>,
      %parallel_loop3A_370 = arith.index_cast %parallel_loop3A_366 : i32 to index
      %parallel_loop3A_371 = arith.constant 16 : index
      %parallel_loop3A_372 = tpu.vector_load %arg13[%parallel_loop3A_370, %parallel_loop3A_371] {strides = array<i32>} : memref<512x32xf32, #tpu.memory_space<vmem>>, vector<16xf32>,
      %parallel_loop3A_373 = arith.index_cast %parallel_loop3A_366 : i32 to index
      %parallel_loop3A_374 = arith.constant 0 : index
      %parallel_loop3A_375 = tpu.vector_load %arg9[%parallel_loop3A_373, %parallel_loop3A_374] {strides = array<i32>} : memref<512x32xf32, #tpu.memory_space<vmem>>, vector<16xf32>,
      %parallel_loop3A_376 = arith.index_cast %parallel_loop3A_366 : i32 to index
      %parallel_loop3A_377 = arith.constant 16 : index
      %parallel_loop3A_378 = tpu.vector_load %arg9[%parallel_loop3A_376, %parallel_loop3A_377] {strides = array<i32>} : memref<512x32xf32, #tpu.memory_space<vmem>>, vector<16xf32>,
      %parallel_loop3A_379 = arith.index_cast %parallel_loop3A_366 : i32 to index
      %parallel_loop3A_380 = arith.constant 0 : index
      %parallel_loop3A_381 = tpu.vector_load %arg15[%parallel_loop3A_379, %parallel_loop3A_380] {strides = array<i32>} : memref<512x32xf32, #tpu.memory_space<vmem>>, vector<16xf32>,
      %parallel_loop3A_382 = arith.index_cast %parallel_loop3A_366 : i32 to index
      %parallel_loop3A_383 = arith.constant 16 : index
      %parallel_loop3A_384 = tpu.vector_load %arg15[%parallel_loop3A_382, %parallel_loop3A_383] {strides = array<i32>} : memref<512x32xf32, #tpu.memory_space<vmem>>, vector<16xf32>,
      %parallel_loop3A_385 = arith.addf %parallel_loop3A_369, %parallel_loop3A_375 : vector<16xf32>
      %parallel_loop3A_386 = arith.subf %parallel_loop3A_385, %parallel_loop3A_381 : vector<16xf32>
      %parallel_loop3A_387 = arith.addf %parallel_loop3A_372, %parallel_loop3A_378 : vector<16xf32>
      %parallel_loop3A_388 = arith.subf %parallel_loop3A_387, %parallel_loop3A_384 : vector<16xf32>
      %parallel_loop3A_389 = arith.mulf %parallel_loop3A_386, %parallel_loop3A_386 : vector<16xf32>
      %parallel_loop3A_390 = arith.mulf %parallel_loop3A_388, %parallel_loop3A_388 : vector<16xf32>
      %parallel_loop3A_391 = arith.addf %parallel_loop3A_389, %parallel_loop3A_390 : vector<16xf32>
      %parallel_loop3A_392 = arith.constant 3 : i32
      %parallel_loop3A_393 = vector.broadcast %parallel_loop3A_392 : i32 to vector<16xi32>
      %parallel_loop3A_394 = arith.cmpi eq, %iota3A, %parallel_loop3A_393 : vector<16xi32>
      %parallel_loop3A_395 = arith.constant true
      %parallel_loop3A_396 = vector.broadcast %parallel_loop3A_395 : i1 to vector<16xi1>
      %parallel_loop3A_397 = tpu.scan <sum>, %parallel_loop3A_391 masked %parallel_loop3A_396 : vector<16xf32>, vector<16xi1> -> vector<16xf32>
      %parallel_loop3A_398 = vector.extract_strided_slice %parallel_loop3A_397 {offsets = [15], sizes = [1], strides = [1]} : vector<16xf32> to vector<1xf32>
      %parallel_loop3A_399 = vector.extract %parallel_loop3A_398[0] : f32 from vector<1xf32>
      %parallel_loop3A_400 = vector.broadcast %parallel_loop3A_399 : f32 to vector<16xf32>
      %parallel_loop3A_401 = arith.select %parallel_loop3A_394, %parallel_loop3A_400, %parallel_loop3A_364 : vector<16xi1>, vector<16xf32>
      %parallel_loop3A_402 = arith.constant 4 : i32
      %parallel_loop3A_403 = arith.addi %parallel_loop3A_251, %parallel_loop3A_402 : i32
      %parallel_loop3A_404 = arith.index_cast %parallel_loop3A_403 : i32 to index
      %parallel_loop3A_405 = arith.constant 0 : index
      %parallel_loop3A_406 = tpu.vector_load %arg13[%parallel_loop3A_404, %parallel_loop3A_405] {strides = array<i32>} : memref<512x32xf32, #tpu.memory_space<vmem>>, vector<16xf32>,
      %parallel_loop3A_407 = arith.index_cast %parallel_loop3A_403 : i32 to index
      %parallel_loop3A_408 = arith.constant 16 : index
      %parallel_loop3A_409 = tpu.vector_load %arg13[%parallel_loop3A_407, %parallel_loop3A_408] {strides = array<i32>} : memref<512x32xf32, #tpu.memory_space<vmem>>, vector<16xf32>,
      %parallel_loop3A_410 = arith.index_cast %parallel_loop3A_403 : i32 to index
      %parallel_loop3A_411 = arith.constant 0 : index
      %parallel_loop3A_412 = tpu.vector_load %arg9[%parallel_loop3A_410, %parallel_loop3A_411] {strides = array<i32>} : memref<512x32xf32, #tpu.memory_space<vmem>>, vector<16xf32>,
      %parallel_loop3A_413 = arith.index_cast %parallel_loop3A_403 : i32 to index
      %parallel_loop3A_414 = arith.constant 16 : index
      %parallel_loop3A_415 = tpu.vector_load %arg9[%parallel_loop3A_413, %parallel_loop3A_414] {strides = array<i32>} : memref<512x32xf32, #tpu.memory_space<vmem>>, vector<16xf32>,
      %parallel_loop3A_416 = arith.index_cast %parallel_loop3A_403 : i32 to index
      %parallel_loop3A_417 = arith.constant 0 : index
      %parallel_loop3A_418 = tpu.vector_load %arg15[%parallel_loop3A_416, %parallel_loop3A_417] {strides = array<i32>} : memref<512x32xf32, #tpu.memory_space<vmem>>, vector<16xf32>,
      %parallel_loop3A_419 = arith.index_cast %parallel_loop3A_403 : i32 to index
      %parallel_loop3A_420 = arith.constant 16 : index
      %parallel_loop3A_421 = tpu.vector_load %arg15[%parallel_loop3A_419, %parallel_loop3A_420] {strides = array<i32>} : memref<512x32xf32, #tpu.memory_space<vmem>>, vector<16xf32>,
      %parallel_loop3A_422 = arith.addf %parallel_loop3A_406, %parallel_loop3A_412 : vector<16xf32>
      %parallel_loop3A_423 = arith.subf %parallel_loop3A_422, %parallel_loop3A_418 : vector<16xf32>
      %parallel_loop3A_424 = arith.addf %parallel_loop3A_409, %parallel_loop3A_415 : vector<16xf32>
      %parallel_loop3A_425 = arith.subf %parallel_loop3A_424, %parallel_loop3A_421 : vector<16xf32>
      %parallel_loop3A_426 = arith.mulf %parallel_loop3A_423, %parallel_loop3A_423 : vector<16xf32>
      %parallel_loop3A_427 = arith.mulf %parallel_loop3A_425, %parallel_loop3A_425 : vector<16xf32>
      %parallel_loop3A_428 = arith.addf %parallel_loop3A_426, %parallel_loop3A_427 : vector<16xf32>
      %parallel_loop3A_429 = arith.constant 4 : i32
      %parallel_loop3A_430 = vector.broadcast %parallel_loop3A_429 : i32 to vector<16xi32>
      %parallel_loop3A_431 = arith.cmpi eq, %iota3A, %parallel_loop3A_430 : vector<16xi32>
      %parallel_loop3A_432 = arith.constant true
      %parallel_loop3A_433 = vector.broadcast %parallel_loop3A_432 : i1 to vector<16xi1>
      %parallel_loop3A_434 = tpu.scan <sum>, %parallel_loop3A_428 masked %parallel_loop3A_433 : vector<16xf32>, vector<16xi1> -> vector<16xf32>
      %parallel_loop3A_435 = vector.extract_strided_slice %parallel_loop3A_434 {offsets = [15], sizes = [1], strides = [1]} : vector<16xf32> to vector<1xf32>
      %parallel_loop3A_436 = vector.extract %parallel_loop3A_435[0] : f32 from vector<1xf32>
      %parallel_loop3A_437 = vector.broadcast %parallel_loop3A_436 : f32 to vector<16xf32>
      %parallel_loop3A_438 = arith.select %parallel_loop3A_431, %parallel_loop3A_437, %parallel_loop3A_401 : vector<16xi1>, vector<16xf32>
      %parallel_loop3A_439 = arith.constant 5 : i32
      %parallel_loop3A_440 = arith.addi %parallel_loop3A_251, %parallel_loop3A_439 : i32
      %parallel_loop3A_441 = arith.index_cast %parallel_loop3A_440 : i32 to index
      %parallel_loop3A_442 = arith.constant 0 : index
      %parallel_loop3A_443 = tpu.vector_load %arg13[%parallel_loop3A_441, %parallel_loop3A_442] {strides = array<i32>} : memref<512x32xf32, #tpu.memory_space<vmem>>, vector<16xf32>,
      %parallel_loop3A_444 = arith.index_cast %parallel_loop3A_440 : i32 to index
      %parallel_loop3A_445 = arith.constant 16 : index
      %parallel_loop3A_446 = tpu.vector_load %arg13[%parallel_loop3A_444, %parallel_loop3A_445] {strides = array<i32>} : memref<512x32xf32, #tpu.memory_space<vmem>>, vector<16xf32>,
      %parallel_loop3A_447 = arith.index_cast %parallel_loop3A_440 : i32 to index
      %parallel_loop3A_448 = arith.constant 0 : index
      %parallel_loop3A_449 = tpu.vector_load %arg9[%parallel_loop3A_447, %parallel_loop3A_448] {strides = array<i32>} : memref<512x32xf32, #tpu.memory_space<vmem>>, vector<16xf32>,
      %parallel_loop3A_450 = arith.index_cast %parallel_loop3A_440 : i32 to index
      %parallel_loop3A_451 = arith.constant 16 : index
      %parallel_loop3A_452 = tpu.vector_load %arg9[%parallel_loop3A_450, %parallel_loop3A_451] {strides = array<i32>} : memref<512x32xf32, #tpu.memory_space<vmem>>, vector<16xf32>,
      %parallel_loop3A_453 = arith.index_cast %parallel_loop3A_440 : i32 to index
      %parallel_loop3A_454 = arith.constant 0 : index
      %parallel_loop3A_455 = tpu.vector_load %arg15[%parallel_loop3A_453, %parallel_loop3A_454] {strides = array<i32>} : memref<512x32xf32, #tpu.memory_space<vmem>>, vector<16xf32>,
      %parallel_loop3A_456 = arith.index_cast %parallel_loop3A_440 : i32 to index
      %parallel_loop3A_457 = arith.constant 16 : index
      %parallel_loop3A_458 = tpu.vector_load %arg15[%parallel_loop3A_456, %parallel_loop3A_457] {strides = array<i32>} : memref<512x32xf32, #tpu.memory_space<vmem>>, vector<16xf32>,
      %parallel_loop3A_459 = arith.addf %parallel_loop3A_443, %parallel_loop3A_449 : vector<16xf32>
      %parallel_loop3A_460 = arith.subf %parallel_loop3A_459, %parallel_loop3A_455 : vector<16xf32>
      %parallel_loop3A_461 = arith.addf %parallel_loop3A_446, %parallel_loop3A_452 : vector<16xf32>
      %parallel_loop3A_462 = arith.subf %parallel_loop3A_461, %parallel_loop3A_458 : vector<16xf32>
      %parallel_loop3A_463 = arith.mulf %parallel_loop3A_460, %parallel_loop3A_460 : vector<16xf32>
      %parallel_loop3A_464 = arith.mulf %parallel_loop3A_462, %parallel_loop3A_462 : vector<16xf32>
      %parallel_loop3A_465 = arith.addf %parallel_loop3A_463, %parallel_loop3A_464 : vector<16xf32>
      %parallel_loop3A_466 = arith.constant 5 : i32
      %parallel_loop3A_467 = vector.broadcast %parallel_loop3A_466 : i32 to vector<16xi32>
      %parallel_loop3A_468 = arith.cmpi eq, %iota3A, %parallel_loop3A_467 : vector<16xi32>
      %parallel_loop3A_469 = arith.constant true
      %parallel_loop3A_470 = vector.broadcast %parallel_loop3A_469 : i1 to vector<16xi1>
      %parallel_loop3A_471 = tpu.scan <sum>, %parallel_loop3A_465 masked %parallel_loop3A_470 : vector<16xf32>, vector<16xi1> -> vector<16xf32>
      %parallel_loop3A_472 = vector.extract_strided_slice %parallel_loop3A_471 {offsets = [15], sizes = [1], strides = [1]} : vector<16xf32> to vector<1xf32>
      %parallel_loop3A_473 = vector.extract %parallel_loop3A_472[0] : f32 from vector<1xf32>
      %parallel_loop3A_474 = vector.broadcast %parallel_loop3A_473 : f32 to vector<16xf32>
      %parallel_loop3A_475 = arith.select %parallel_loop3A_468, %parallel_loop3A_474, %parallel_loop3A_438 : vector<16xi1>, vector<16xf32>
      %parallel_loop3A_476 = arith.constant 6 : i32
      %parallel_loop3A_477 = arith.addi %parallel_loop3A_251, %parallel_loop3A_476 : i32
      %parallel_loop3A_478 = arith.index_cast %parallel_loop3A_477 : i32 to index
      %parallel_loop3A_479 = arith.constant 0 : index
      %parallel_loop3A_480 = tpu.vector_load %arg13[%parallel_loop3A_478, %parallel_loop3A_479] {strides = array<i32>} : memref<512x32xf32, #tpu.memory_space<vmem>>, vector<16xf32>,
      %parallel_loop3A_481 = arith.index_cast %parallel_loop3A_477 : i32 to index
      %parallel_loop3A_482 = arith.constant 16 : index
      %parallel_loop3A_483 = tpu.vector_load %arg13[%parallel_loop3A_481, %parallel_loop3A_482] {strides = array<i32>} : memref<512x32xf32, #tpu.memory_space<vmem>>, vector<16xf32>,
      %parallel_loop3A_484 = arith.index_cast %parallel_loop3A_477 : i32 to index
      %parallel_loop3A_485 = arith.constant 0 : index
      %parallel_loop3A_486 = tpu.vector_load %arg9[%parallel_loop3A_484, %parallel_loop3A_485] {strides = array<i32>} : memref<512x32xf32, #tpu.memory_space<vmem>>, vector<16xf32>,
      %parallel_loop3A_487 = arith.index_cast %parallel_loop3A_477 : i32 to index
      %parallel_loop3A_488 = arith.constant 16 : index
      %parallel_loop3A_489 = tpu.vector_load %arg9[%parallel_loop3A_487, %parallel_loop3A_488] {strides = array<i32>} : memref<512x32xf32, #tpu.memory_space<vmem>>, vector<16xf32>,
      %parallel_loop3A_490 = arith.index_cast %parallel_loop3A_477 : i32 to index
      %parallel_loop3A_491 = arith.constant 0 : index
      %parallel_loop3A_492 = tpu.vector_load %arg15[%parallel_loop3A_490, %parallel_loop3A_491] {strides = array<i32>} : memref<512x32xf32, #tpu.memory_space<vmem>>, vector<16xf32>,
      %parallel_loop3A_493 = arith.index_cast %parallel_loop3A_477 : i32 to index
      %parallel_loop3A_494 = arith.constant 16 : index
      %parallel_loop3A_495 = tpu.vector_load %arg15[%parallel_loop3A_493, %parallel_loop3A_494] {strides = array<i32>} : memref<512x32xf32, #tpu.memory_space<vmem>>, vector<16xf32>,
      %parallel_loop3A_496 = arith.addf %parallel_loop3A_480, %parallel_loop3A_486 : vector<16xf32>
      %parallel_loop3A_497 = arith.subf %parallel_loop3A_496, %parallel_loop3A_492 : vector<16xf32>
      %parallel_loop3A_498 = arith.addf %parallel_loop3A_483, %parallel_loop3A_489 : vector<16xf32>
      %parallel_loop3A_499 = arith.subf %parallel_loop3A_498, %parallel_loop3A_495 : vector<16xf32>
      %parallel_loop3A_500 = arith.mulf %parallel_loop3A_497, %parallel_loop3A_497 : vector<16xf32>
      %parallel_loop3A_501 = arith.mulf %parallel_loop3A_499, %parallel_loop3A_499 : vector<16xf32>
      %parallel_loop3A_502 = arith.addf %parallel_loop3A_500, %parallel_loop3A_501 : vector<16xf32>
      %parallel_loop3A_503 = arith.constant 6 : i32
      %parallel_loop3A_504 = vector.broadcast %parallel_loop3A_503 : i32 to vector<16xi32>
      %parallel_loop3A_505 = arith.cmpi eq, %iota3A, %parallel_loop3A_504 : vector<16xi32>
      %parallel_loop3A_506 = arith.constant true
      %parallel_loop3A_507 = vector.broadcast %parallel_loop3A_506 : i1 to vector<16xi1>
      %parallel_loop3A_508 = tpu.scan <sum>, %parallel_loop3A_502 masked %parallel_loop3A_507 : vector<16xf32>, vector<16xi1> -> vector<16xf32>
      %parallel_loop3A_509 = vector.extract_strided_slice %parallel_loop3A_508 {offsets = [15], sizes = [1], strides = [1]} : vector<16xf32> to vector<1xf32>
      %parallel_loop3A_510 = vector.extract %parallel_loop3A_509[0] : f32 from vector<1xf32>
      %parallel_loop3A_511 = vector.broadcast %parallel_loop3A_510 : f32 to vector<16xf32>
      %parallel_loop3A_512 = arith.select %parallel_loop3A_505, %parallel_loop3A_511, %parallel_loop3A_475 : vector<16xi1>, vector<16xf32>
      %parallel_loop3A_513 = arith.constant 7 : i32
      %parallel_loop3A_514 = arith.addi %parallel_loop3A_251, %parallel_loop3A_513 : i32
      %parallel_loop3A_515 = arith.index_cast %parallel_loop3A_514 : i32 to index
      %parallel_loop3A_516 = arith.constant 0 : index
      %parallel_loop3A_517 = tpu.vector_load %arg13[%parallel_loop3A_515, %parallel_loop3A_516] {strides = array<i32>} : memref<512x32xf32, #tpu.memory_space<vmem>>, vector<16xf32>,
      %parallel_loop3A_518 = arith.index_cast %parallel_loop3A_514 : i32 to index
      %parallel_loop3A_519 = arith.constant 16 : index
      %parallel_loop3A_520 = tpu.vector_load %arg13[%parallel_loop3A_518, %parallel_loop3A_519] {strides = array<i32>} : memref<512x32xf32, #tpu.memory_space<vmem>>, vector<16xf32>,
      %parallel_loop3A_521 = arith.index_cast %parallel_loop3A_514 : i32 to index
      %parallel_loop3A_522 = arith.constant 0 : index
      %parallel_loop3A_523 = tpu.vector_load %arg9[%parallel_loop3A_521, %parallel_loop3A_522] {strides = array<i32>} : memref<512x32xf32, #tpu.memory_space<vmem>>, vector<16xf32>,
      %parallel_loop3A_524 = arith.index_cast %parallel_loop3A_514 : i32 to index
      %parallel_loop3A_525 = arith.constant 16 : index
      %parallel_loop3A_526 = tpu.vector_load %arg9[%parallel_loop3A_524, %parallel_loop3A_525] {strides = array<i32>} : memref<512x32xf32, #tpu.memory_space<vmem>>, vector<16xf32>,
      %parallel_loop3A_527 = arith.index_cast %parallel_loop3A_514 : i32 to index
      %parallel_loop3A_528 = arith.constant 0 : index
      %parallel_loop3A_529 = tpu.vector_load %arg15[%parallel_loop3A_527, %parallel_loop3A_528] {strides = array<i32>} : memref<512x32xf32, #tpu.memory_space<vmem>>, vector<16xf32>,
      %parallel_loop3A_530 = arith.index_cast %parallel_loop3A_514 : i32 to index
      %parallel_loop3A_531 = arith.constant 16 : index
      %parallel_loop3A_532 = tpu.vector_load %arg15[%parallel_loop3A_530, %parallel_loop3A_531] {strides = array<i32>} : memref<512x32xf32, #tpu.memory_space<vmem>>, vector<16xf32>,
      %parallel_loop3A_533 = arith.addf %parallel_loop3A_517, %parallel_loop3A_523 : vector<16xf32>
      %parallel_loop3A_534 = arith.subf %parallel_loop3A_533, %parallel_loop3A_529 : vector<16xf32>
      %parallel_loop3A_535 = arith.addf %parallel_loop3A_520, %parallel_loop3A_526 : vector<16xf32>
      %parallel_loop3A_536 = arith.subf %parallel_loop3A_535, %parallel_loop3A_532 : vector<16xf32>
      %parallel_loop3A_537 = arith.mulf %parallel_loop3A_534, %parallel_loop3A_534 : vector<16xf32>
      %parallel_loop3A_538 = arith.mulf %parallel_loop3A_536, %parallel_loop3A_536 : vector<16xf32>
      %parallel_loop3A_539 = arith.addf %parallel_loop3A_537, %parallel_loop3A_538 : vector<16xf32>
      %parallel_loop3A_540 = arith.constant 7 : i32
      %parallel_loop3A_541 = vector.broadcast %parallel_loop3A_540 : i32 to vector<16xi32>
      %parallel_loop3A_542 = arith.cmpi eq, %iota3A, %parallel_loop3A_541 : vector<16xi32>
      %parallel_loop3A_543 = arith.constant true
      %parallel_loop3A_544 = vector.broadcast %parallel_loop3A_543 : i1 to vector<16xi1>
      %parallel_loop3A_545 = tpu.scan <sum>, %parallel_loop3A_539 masked %parallel_loop3A_544 : vector<16xf32>, vector<16xi1> -> vector<16xf32>
      %parallel_loop3A_546 = vector.extract_strided_slice %parallel_loop3A_545 {offsets = [15], sizes = [1], strides = [1]} : vector<16xf32> to vector<1xf32>
      %parallel_loop3A_547 = vector.extract %parallel_loop3A_546[0] : f32 from vector<1xf32>
      %parallel_loop3A_548 = vector.broadcast %parallel_loop3A_547 : f32 to vector<16xf32>
      %parallel_loop3A_549 = arith.select %parallel_loop3A_542, %parallel_loop3A_548, %parallel_loop3A_512 : vector<16xi1>, vector<16xf32>
      %parallel_loop3A_550 = arith.constant 8 : i32
      %parallel_loop3A_551 = arith.addi %parallel_loop3A_251, %parallel_loop3A_550 : i32
      %parallel_loop3A_552 = arith.index_cast %parallel_loop3A_551 : i32 to index
      %parallel_loop3A_553 = arith.constant 0 : index
      %parallel_loop3A_554 = tpu.vector_load %arg13[%parallel_loop3A_552, %parallel_loop3A_553] {strides = array<i32>} : memref<512x32xf32, #tpu.memory_space<vmem>>, vector<16xf32>,
      %parallel_loop3A_555 = arith.index_cast %parallel_loop3A_551 : i32 to index
      %parallel_loop3A_556 = arith.constant 16 : index
      %parallel_loop3A_557 = tpu.vector_load %arg13[%parallel_loop3A_555, %parallel_loop3A_556] {strides = array<i32>} : memref<512x32xf32, #tpu.memory_space<vmem>>, vector<16xf32>,
      %parallel_loop3A_558 = arith.index_cast %parallel_loop3A_551 : i32 to index
      %parallel_loop3A_559 = arith.constant 0 : index
      %parallel_loop3A_560 = tpu.vector_load %arg9[%parallel_loop3A_558, %parallel_loop3A_559] {strides = array<i32>} : memref<512x32xf32, #tpu.memory_space<vmem>>, vector<16xf32>,
      %parallel_loop3A_561 = arith.index_cast %parallel_loop3A_551 : i32 to index
      %parallel_loop3A_562 = arith.constant 16 : index
      %parallel_loop3A_563 = tpu.vector_load %arg9[%parallel_loop3A_561, %parallel_loop3A_562] {strides = array<i32>} : memref<512x32xf32, #tpu.memory_space<vmem>>, vector<16xf32>,
      %parallel_loop3A_564 = arith.index_cast %parallel_loop3A_551 : i32 to index
      %parallel_loop3A_565 = arith.constant 0 : index
      %parallel_loop3A_566 = tpu.vector_load %arg15[%parallel_loop3A_564, %parallel_loop3A_565] {strides = array<i32>} : memref<512x32xf32, #tpu.memory_space<vmem>>, vector<16xf32>,
      %parallel_loop3A_567 = arith.index_cast %parallel_loop3A_551 : i32 to index
      %parallel_loop3A_568 = arith.constant 16 : index
      %parallel_loop3A_569 = tpu.vector_load %arg15[%parallel_loop3A_567, %parallel_loop3A_568] {strides = array<i32>} : memref<512x32xf32, #tpu.memory_space<vmem>>, vector<16xf32>,
      %parallel_loop3A_570 = arith.addf %parallel_loop3A_554, %parallel_loop3A_560 : vector<16xf32>
      %parallel_loop3A_571 = arith.subf %parallel_loop3A_570, %parallel_loop3A_566 : vector<16xf32>
      %parallel_loop3A_572 = arith.addf %parallel_loop3A_557, %parallel_loop3A_563 : vector<16xf32>
      %parallel_loop3A_573 = arith.subf %parallel_loop3A_572, %parallel_loop3A_569 : vector<16xf32>
      %parallel_loop3A_574 = arith.mulf %parallel_loop3A_571, %parallel_loop3A_571 : vector<16xf32>
      %parallel_loop3A_575 = arith.mulf %parallel_loop3A_573, %parallel_loop3A_573 : vector<16xf32>
      %parallel_loop3A_576 = arith.addf %parallel_loop3A_574, %parallel_loop3A_575 : vector<16xf32>
      %parallel_loop3A_577 = arith.constant 8 : i32
      %parallel_loop3A_578 = vector.broadcast %parallel_loop3A_577 : i32 to vector<16xi32>
      %parallel_loop3A_579 = arith.cmpi eq, %iota3A, %parallel_loop3A_578 : vector<16xi32>
      %parallel_loop3A_580 = arith.constant true
      %parallel_loop3A_581 = vector.broadcast %parallel_loop3A_580 : i1 to vector<16xi1>
      %parallel_loop3A_582 = tpu.scan <sum>, %parallel_loop3A_576 masked %parallel_loop3A_581 : vector<16xf32>, vector<16xi1> -> vector<16xf32>
      %parallel_loop3A_583 = vector.extract_strided_slice %parallel_loop3A_582 {offsets = [15], sizes = [1], strides = [1]} : vector<16xf32> to vector<1xf32>
      %parallel_loop3A_584 = vector.extract %parallel_loop3A_583[0] : f32 from vector<1xf32>
      %parallel_loop3A_585 = vector.broadcast %parallel_loop3A_584 : f32 to vector<16xf32>
      %parallel_loop3A_586 = arith.select %parallel_loop3A_579, %parallel_loop3A_585, %parallel_loop3A_549 : vector<16xi1>, vector<16xf32>
      %parallel_loop3A_587 = arith.constant 9 : i32
      %parallel_loop3A_588 = arith.addi %parallel_loop3A_251, %parallel_loop3A_587 : i32
      %parallel_loop3A_589 = arith.index_cast %parallel_loop3A_588 : i32 to index
      %parallel_loop3A_590 = arith.constant 0 : index
      %parallel_loop3A_591 = tpu.vector_load %arg13[%parallel_loop3A_589, %parallel_loop3A_590] {strides = array<i32>} : memref<512x32xf32, #tpu.memory_space<vmem>>, vector<16xf32>,
      %parallel_loop3A_592 = arith.index_cast %parallel_loop3A_588 : i32 to index
      %parallel_loop3A_593 = arith.constant 16 : index
      %parallel_loop3A_594 = tpu.vector_load %arg13[%parallel_loop3A_592, %parallel_loop3A_593] {strides = array<i32>} : memref<512x32xf32, #tpu.memory_space<vmem>>, vector<16xf32>,
      %parallel_loop3A_595 = arith.index_cast %parallel_loop3A_588 : i32 to index
      %parallel_loop3A_596 = arith.constant 0 : index
      %parallel_loop3A_597 = tpu.vector_load %arg9[%parallel_loop3A_595, %parallel_loop3A_596] {strides = array<i32>} : memref<512x32xf32, #tpu.memory_space<vmem>>, vector<16xf32>,
      %parallel_loop3A_598 = arith.index_cast %parallel_loop3A_588 : i32 to index
      %parallel_loop3A_599 = arith.constant 16 : index
      %parallel_loop3A_600 = tpu.vector_load %arg9[%parallel_loop3A_598, %parallel_loop3A_599] {strides = array<i32>} : memref<512x32xf32, #tpu.memory_space<vmem>>, vector<16xf32>,
      %parallel_loop3A_601 = arith.index_cast %parallel_loop3A_588 : i32 to index
      %parallel_loop3A_602 = arith.constant 0 : index
      %parallel_loop3A_603 = tpu.vector_load %arg15[%parallel_loop3A_601, %parallel_loop3A_602] {strides = array<i32>} : memref<512x32xf32, #tpu.memory_space<vmem>>, vector<16xf32>,
      %parallel_loop3A_604 = arith.index_cast %parallel_loop3A_588 : i32 to index
      %parallel_loop3A_605 = arith.constant 16 : index
      %parallel_loop3A_606 = tpu.vector_load %arg15[%parallel_loop3A_604, %parallel_loop3A_605] {strides = array<i32>} : memref<512x32xf32, #tpu.memory_space<vmem>>, vector<16xf32>,
      %parallel_loop3A_607 = arith.addf %parallel_loop3A_591, %parallel_loop3A_597 : vector<16xf32>
      %parallel_loop3A_608 = arith.subf %parallel_loop3A_607, %parallel_loop3A_603 : vector<16xf32>
      %parallel_loop3A_609 = arith.addf %parallel_loop3A_594, %parallel_loop3A_600 : vector<16xf32>
      %parallel_loop3A_610 = arith.subf %parallel_loop3A_609, %parallel_loop3A_606 : vector<16xf32>
      %parallel_loop3A_611 = arith.mulf %parallel_loop3A_608, %parallel_loop3A_608 : vector<16xf32>
      %parallel_loop3A_612 = arith.mulf %parallel_loop3A_610, %parallel_loop3A_610 : vector<16xf32>
      %parallel_loop3A_613 = arith.addf %parallel_loop3A_611, %parallel_loop3A_612 : vector<16xf32>
      %parallel_loop3A_614 = arith.constant 9 : i32
      %parallel_loop3A_615 = vector.broadcast %parallel_loop3A_614 : i32 to vector<16xi32>
      %parallel_loop3A_616 = arith.cmpi eq, %iota3A, %parallel_loop3A_615 : vector<16xi32>
      %parallel_loop3A_617 = arith.constant true
      %parallel_loop3A_618 = vector.broadcast %parallel_loop3A_617 : i1 to vector<16xi1>
      %parallel_loop3A_619 = tpu.scan <sum>, %parallel_loop3A_613 masked %parallel_loop3A_618 : vector<16xf32>, vector<16xi1> -> vector<16xf32>
      %parallel_loop3A_620 = vector.extract_strided_slice %parallel_loop3A_619 {offsets = [15], sizes = [1], strides = [1]} : vector<16xf32> to vector<1xf32>
      %parallel_loop3A_621 = vector.extract %parallel_loop3A_620[0] : f32 from vector<1xf32>
      %parallel_loop3A_622 = vector.broadcast %parallel_loop3A_621 : f32 to vector<16xf32>
      %parallel_loop3A_623 = arith.select %parallel_loop3A_616, %parallel_loop3A_622, %parallel_loop3A_586 : vector<16xi1>, vector<16xf32>
      %parallel_loop3A_624 = arith.constant 10 : i32
      %parallel_loop3A_625 = arith.addi %parallel_loop3A_251, %parallel_loop3A_624 : i32
      %parallel_loop3A_626 = arith.index_cast %parallel_loop3A_625 : i32 to index
      %parallel_loop3A_627 = arith.constant 0 : index
      %parallel_loop3A_628 = tpu.vector_load %arg13[%parallel_loop3A_626, %parallel_loop3A_627] {strides = array<i32>} : memref<512x32xf32, #tpu.memory_space<vmem>>, vector<16xf32>,
      %parallel_loop3A_629 = arith.index_cast %parallel_loop3A_625 : i32 to index
      %parallel_loop3A_630 = arith.constant 16 : index
      %parallel_loop3A_631 = tpu.vector_load %arg13[%parallel_loop3A_629, %parallel_loop3A_630] {strides = array<i32>} : memref<512x32xf32, #tpu.memory_space<vmem>>, vector<16xf32>,
      %parallel_loop3A_632 = arith.index_cast %parallel_loop3A_625 : i32 to index
      %parallel_loop3A_633 = arith.constant 0 : index
      %parallel_loop3A_634 = tpu.vector_load %arg9[%parallel_loop3A_632, %parallel_loop3A_633] {strides = array<i32>} : memref<512x32xf32, #tpu.memory_space<vmem>>, vector<16xf32>,
      %parallel_loop3A_635 = arith.index_cast %parallel_loop3A_625 : i32 to index
      %parallel_loop3A_636 = arith.constant 16 : index
      %parallel_loop3A_637 = tpu.vector_load %arg9[%parallel_loop3A_635, %parallel_loop3A_636] {strides = array<i32>} : memref<512x32xf32, #tpu.memory_space<vmem>>, vector<16xf32>,
      %parallel_loop3A_638 = arith.index_cast %parallel_loop3A_625 : i32 to index
      %parallel_loop3A_639 = arith.constant 0 : index
      %parallel_loop3A_640 = tpu.vector_load %arg15[%parallel_loop3A_638, %parallel_loop3A_639] {strides = array<i32>} : memref<512x32xf32, #tpu.memory_space<vmem>>, vector<16xf32>,
      %parallel_loop3A_641 = arith.index_cast %parallel_loop3A_625 : i32 to index
      %parallel_loop3A_642 = arith.constant 16 : index
      %parallel_loop3A_643 = tpu.vector_load %arg15[%parallel_loop3A_641, %parallel_loop3A_642] {strides = array<i32>} : memref<512x32xf32, #tpu.memory_space<vmem>>, vector<16xf32>,
      %parallel_loop3A_644 = arith.addf %parallel_loop3A_628, %parallel_loop3A_634 : vector<16xf32>
      %parallel_loop3A_645 = arith.subf %parallel_loop3A_644, %parallel_loop3A_640 : vector<16xf32>
      %parallel_loop3A_646 = arith.addf %parallel_loop3A_631, %parallel_loop3A_637 : vector<16xf32>
      %parallel_loop3A_647 = arith.subf %parallel_loop3A_646, %parallel_loop3A_643 : vector<16xf32>
      %parallel_loop3A_648 = arith.mulf %parallel_loop3A_645, %parallel_loop3A_645 : vector<16xf32>
      %parallel_loop3A_649 = arith.mulf %parallel_loop3A_647, %parallel_loop3A_647 : vector<16xf32>
      %parallel_loop3A_650 = arith.addf %parallel_loop3A_648, %parallel_loop3A_649 : vector<16xf32>
      %parallel_loop3A_651 = arith.constant 10 : i32
      %parallel_loop3A_652 = vector.broadcast %parallel_loop3A_651 : i32 to vector<16xi32>
      %parallel_loop3A_653 = arith.cmpi eq, %iota3A, %parallel_loop3A_652 : vector<16xi32>
      %parallel_loop3A_654 = arith.constant true
      %parallel_loop3A_655 = vector.broadcast %parallel_loop3A_654 : i1 to vector<16xi1>
      %parallel_loop3A_656 = tpu.scan <sum>, %parallel_loop3A_650 masked %parallel_loop3A_655 : vector<16xf32>, vector<16xi1> -> vector<16xf32>
      %parallel_loop3A_657 = vector.extract_strided_slice %parallel_loop3A_656 {offsets = [15], sizes = [1], strides = [1]} : vector<16xf32> to vector<1xf32>
      %parallel_loop3A_658 = vector.extract %parallel_loop3A_657[0] : f32 from vector<1xf32>
      %parallel_loop3A_659 = vector.broadcast %parallel_loop3A_658 : f32 to vector<16xf32>
      %parallel_loop3A_660 = arith.select %parallel_loop3A_653, %parallel_loop3A_659, %parallel_loop3A_623 : vector<16xi1>, vector<16xf32>
      %parallel_loop3A_661 = arith.constant 11 : i32
      %parallel_loop3A_662 = arith.addi %parallel_loop3A_251, %parallel_loop3A_661 : i32
      %parallel_loop3A_663 = arith.index_cast %parallel_loop3A_662 : i32 to index
      %parallel_loop3A_664 = arith.constant 0 : index
      %parallel_loop3A_665 = tpu.vector_load %arg13[%parallel_loop3A_663, %parallel_loop3A_664] {strides = array<i32>} : memref<512x32xf32, #tpu.memory_space<vmem>>, vector<16xf32>,
      %parallel_loop3A_666 = arith.index_cast %parallel_loop3A_662 : i32 to index
      %parallel_loop3A_667 = arith.constant 16 : index
      %parallel_loop3A_668 = tpu.vector_load %arg13[%parallel_loop3A_666, %parallel_loop3A_667] {strides = array<i32>} : memref<512x32xf32, #tpu.memory_space<vmem>>, vector<16xf32>,
      %parallel_loop3A_669 = arith.index_cast %parallel_loop3A_662 : i32 to index
      %parallel_loop3A_670 = arith.constant 0 : index
      %parallel_loop3A_671 = tpu.vector_load %arg9[%parallel_loop3A_669, %parallel_loop3A_670] {strides = array<i32>} : memref<512x32xf32, #tpu.memory_space<vmem>>, vector<16xf32>,
      %parallel_loop3A_672 = arith.index_cast %parallel_loop3A_662 : i32 to index
      %parallel_loop3A_673 = arith.constant 16 : index
      %parallel_loop3A_674 = tpu.vector_load %arg9[%parallel_loop3A_672, %parallel_loop3A_673] {strides = array<i32>} : memref<512x32xf32, #tpu.memory_space<vmem>>, vector<16xf32>,
      %parallel_loop3A_675 = arith.index_cast %parallel_loop3A_662 : i32 to index
      %parallel_loop3A_676 = arith.constant 0 : index
      %parallel_loop3A_677 = tpu.vector_load %arg15[%parallel_loop3A_675, %parallel_loop3A_676] {strides = array<i32>} : memref<512x32xf32, #tpu.memory_space<vmem>>, vector<16xf32>,
      %parallel_loop3A_678 = arith.index_cast %parallel_loop3A_662 : i32 to index
      %parallel_loop3A_679 = arith.constant 16 : index
      %parallel_loop3A_680 = tpu.vector_load %arg15[%parallel_loop3A_678, %parallel_loop3A_679] {strides = array<i32>} : memref<512x32xf32, #tpu.memory_space<vmem>>, vector<16xf32>,
      %parallel_loop3A_681 = arith.addf %parallel_loop3A_665, %parallel_loop3A_671 : vector<16xf32>
      %parallel_loop3A_682 = arith.subf %parallel_loop3A_681, %parallel_loop3A_677 : vector<16xf32>
      %parallel_loop3A_683 = arith.addf %parallel_loop3A_668, %parallel_loop3A_674 : vector<16xf32>
      %parallel_loop3A_684 = arith.subf %parallel_loop3A_683, %parallel_loop3A_680 : vector<16xf32>
      %parallel_loop3A_685 = arith.mulf %parallel_loop3A_682, %parallel_loop3A_682 : vector<16xf32>
      %parallel_loop3A_686 = arith.mulf %parallel_loop3A_684, %parallel_loop3A_684 : vector<16xf32>
      %parallel_loop3A_687 = arith.addf %parallel_loop3A_685, %parallel_loop3A_686 : vector<16xf32>
      %parallel_loop3A_688 = arith.constant 11 : i32
      %parallel_loop3A_689 = vector.broadcast %parallel_loop3A_688 : i32 to vector<16xi32>
      %parallel_loop3A_690 = arith.cmpi eq, %iota3A, %parallel_loop3A_689 : vector<16xi32>
      %parallel_loop3A_691 = arith.constant true
      %parallel_loop3A_692 = vector.broadcast %parallel_loop3A_691 : i1 to vector<16xi1>
      %parallel_loop3A_693 = tpu.scan <sum>, %parallel_loop3A_687 masked %parallel_loop3A_692 : vector<16xf32>, vector<16xi1> -> vector<16xf32>
      %parallel_loop3A_694 = vector.extract_strided_slice %parallel_loop3A_693 {offsets = [15], sizes = [1], strides = [1]} : vector<16xf32> to vector<1xf32>
      %parallel_loop3A_695 = vector.extract %parallel_loop3A_694[0] : f32 from vector<1xf32>
      %parallel_loop3A_696 = vector.broadcast %parallel_loop3A_695 : f32 to vector<16xf32>
      %parallel_loop3A_697 = arith.select %parallel_loop3A_690, %parallel_loop3A_696, %parallel_loop3A_660 : vector<16xi1>, vector<16xf32>
      %parallel_loop3A_698 = arith.constant 12 : i32
      %parallel_loop3A_699 = arith.addi %parallel_loop3A_251, %parallel_loop3A_698 : i32
      %parallel_loop3A_700 = arith.index_cast %parallel_loop3A_699 : i32 to index
      %parallel_loop3A_701 = arith.constant 0 : index
      %parallel_loop3A_702 = tpu.vector_load %arg13[%parallel_loop3A_700, %parallel_loop3A_701] {strides = array<i32>} : memref<512x32xf32, #tpu.memory_space<vmem>>, vector<16xf32>,
      %parallel_loop3A_703 = arith.index_cast %parallel_loop3A_699 : i32 to index
      %parallel_loop3A_704 = arith.constant 16 : index
      %parallel_loop3A_705 = tpu.vector_load %arg13[%parallel_loop3A_703, %parallel_loop3A_704] {strides = array<i32>} : memref<512x32xf32, #tpu.memory_space<vmem>>, vector<16xf32>,
      %parallel_loop3A_706 = arith.index_cast %parallel_loop3A_699 : i32 to index
      %parallel_loop3A_707 = arith.constant 0 : index
      %parallel_loop3A_708 = tpu.vector_load %arg9[%parallel_loop3A_706, %parallel_loop3A_707] {strides = array<i32>} : memref<512x32xf32, #tpu.memory_space<vmem>>, vector<16xf32>,
      %parallel_loop3A_709 = arith.index_cast %parallel_loop3A_699 : i32 to index
      %parallel_loop3A_710 = arith.constant 16 : index
      %parallel_loop3A_711 = tpu.vector_load %arg9[%parallel_loop3A_709, %parallel_loop3A_710] {strides = array<i32>} : memref<512x32xf32, #tpu.memory_space<vmem>>, vector<16xf32>,
      %parallel_loop3A_712 = arith.index_cast %parallel_loop3A_699 : i32 to index
      %parallel_loop3A_713 = arith.constant 0 : index
      %parallel_loop3A_714 = tpu.vector_load %arg15[%parallel_loop3A_712, %parallel_loop3A_713] {strides = array<i32>} : memref<512x32xf32, #tpu.memory_space<vmem>>, vector<16xf32>,
      %parallel_loop3A_715 = arith.index_cast %parallel_loop3A_699 : i32 to index
      %parallel_loop3A_716 = arith.constant 16 : index
      %parallel_loop3A_717 = tpu.vector_load %arg15[%parallel_loop3A_715, %parallel_loop3A_716] {strides = array<i32>} : memref<512x32xf32, #tpu.memory_space<vmem>>, vector<16xf32>,
      %parallel_loop3A_718 = arith.addf %parallel_loop3A_702, %parallel_loop3A_708 : vector<16xf32>
      %parallel_loop3A_719 = arith.subf %parallel_loop3A_718, %parallel_loop3A_714 : vector<16xf32>
      %parallel_loop3A_720 = arith.addf %parallel_loop3A_705, %parallel_loop3A_711 : vector<16xf32>
      %parallel_loop3A_721 = arith.subf %parallel_loop3A_720, %parallel_loop3A_717 : vector<16xf32>
      %parallel_loop3A_722 = arith.mulf %parallel_loop3A_719, %parallel_loop3A_719 : vector<16xf32>
      %parallel_loop3A_723 = arith.mulf %parallel_loop3A_721, %parallel_loop3A_721 : vector<16xf32>
      %parallel_loop3A_724 = arith.addf %parallel_loop3A_722, %parallel_loop3A_723 : vector<16xf32>
      %parallel_loop3A_725 = arith.constant 12 : i32
      %parallel_loop3A_726 = vector.broadcast %parallel_loop3A_725 : i32 to vector<16xi32>
      %parallel_loop3A_727 = arith.cmpi eq, %iota3A, %parallel_loop3A_726 : vector<16xi32>
      %parallel_loop3A_728 = arith.constant true
      %parallel_loop3A_729 = vector.broadcast %parallel_loop3A_728 : i1 to vector<16xi1>
      %parallel_loop3A_730 = tpu.scan <sum>, %parallel_loop3A_724 masked %parallel_loop3A_729 : vector<16xf32>, vector<16xi1> -> vector<16xf32>
      %parallel_loop3A_731 = vector.extract_strided_slice %parallel_loop3A_730 {offsets = [15], sizes = [1], strides = [1]} : vector<16xf32> to vector<1xf32>
      %parallel_loop3A_732 = vector.extract %parallel_loop3A_731[0] : f32 from vector<1xf32>
      %parallel_loop3A_733 = vector.broadcast %parallel_loop3A_732 : f32 to vector<16xf32>
      %parallel_loop3A_734 = arith.select %parallel_loop3A_727, %parallel_loop3A_733, %parallel_loop3A_697 : vector<16xi1>, vector<16xf32>
      %parallel_loop3A_735 = arith.constant 13 : i32
      %parallel_loop3A_736 = arith.addi %parallel_loop3A_251, %parallel_loop3A_735 : i32
      %parallel_loop3A_737 = arith.index_cast %parallel_loop3A_736 : i32 to index
      %parallel_loop3A_738 = arith.constant 0 : index
      %parallel_loop3A_739 = tpu.vector_load %arg13[%parallel_loop3A_737, %parallel_loop3A_738] {strides = array<i32>} : memref<512x32xf32, #tpu.memory_space<vmem>>, vector<16xf32>,
      %parallel_loop3A_740 = arith.index_cast %parallel_loop3A_736 : i32 to index
      %parallel_loop3A_741 = arith.constant 16 : index
      %parallel_loop3A_742 = tpu.vector_load %arg13[%parallel_loop3A_740, %parallel_loop3A_741] {strides = array<i32>} : memref<512x32xf32, #tpu.memory_space<vmem>>, vector<16xf32>,
      %parallel_loop3A_743 = arith.index_cast %parallel_loop3A_736 : i32 to index
      %parallel_loop3A_744 = arith.constant 0 : index
      %parallel_loop3A_745 = tpu.vector_load %arg9[%parallel_loop3A_743, %parallel_loop3A_744] {strides = array<i32>} : memref<512x32xf32, #tpu.memory_space<vmem>>, vector<16xf32>,
      %parallel_loop3A_746 = arith.index_cast %parallel_loop3A_736 : i32 to index
      %parallel_loop3A_747 = arith.constant 16 : index
      %parallel_loop3A_748 = tpu.vector_load %arg9[%parallel_loop3A_746, %parallel_loop3A_747] {strides = array<i32>} : memref<512x32xf32, #tpu.memory_space<vmem>>, vector<16xf32>,
      %parallel_loop3A_749 = arith.index_cast %parallel_loop3A_736 : i32 to index
      %parallel_loop3A_750 = arith.constant 0 : index
      %parallel_loop3A_751 = tpu.vector_load %arg15[%parallel_loop3A_749, %parallel_loop3A_750] {strides = array<i32>} : memref<512x32xf32, #tpu.memory_space<vmem>>, vector<16xf32>,
      %parallel_loop3A_752 = arith.index_cast %parallel_loop3A_736 : i32 to index
      %parallel_loop3A_753 = arith.constant 16 : index
      %parallel_loop3A_754 = tpu.vector_load %arg15[%parallel_loop3A_752, %parallel_loop3A_753] {strides = array<i32>} : memref<512x32xf32, #tpu.memory_space<vmem>>, vector<16xf32>,
      %parallel_loop3A_755 = arith.addf %parallel_loop3A_739, %parallel_loop3A_745 : vector<16xf32>
      %parallel_loop3A_756 = arith.subf %parallel_loop3A_755, %parallel_loop3A_751 : vector<16xf32>
      %parallel_loop3A_757 = arith.addf %parallel_loop3A_742, %parallel_loop3A_748 : vector<16xf32>
      %parallel_loop3A_758 = arith.subf %parallel_loop3A_757, %parallel_loop3A_754 : vector<16xf32>
      %parallel_loop3A_759 = arith.mulf %parallel_loop3A_756, %parallel_loop3A_756 : vector<16xf32>
      %parallel_loop3A_760 = arith.mulf %parallel_loop3A_758, %parallel_loop3A_758 : vector<16xf32>
      %parallel_loop3A_761 = arith.addf %parallel_loop3A_759, %parallel_loop3A_760 : vector<16xf32>
      %parallel_loop3A_762 = arith.constant 13 : i32
      %parallel_loop3A_763 = vector.broadcast %parallel_loop3A_762 : i32 to vector<16xi32>
      %parallel_loop3A_764 = arith.cmpi eq, %iota3A, %parallel_loop3A_763 : vector<16xi32>
      %parallel_loop3A_765 = arith.constant true
      %parallel_loop3A_766 = vector.broadcast %parallel_loop3A_765 : i1 to vector<16xi1>
      %parallel_loop3A_767 = tpu.scan <sum>, %parallel_loop3A_761 masked %parallel_loop3A_766 : vector<16xf32>, vector<16xi1> -> vector<16xf32>
      %parallel_loop3A_768 = vector.extract_strided_slice %parallel_loop3A_767 {offsets = [15], sizes = [1], strides = [1]} : vector<16xf32> to vector<1xf32>
      %parallel_loop3A_769 = vector.extract %parallel_loop3A_768[0] : f32 from vector<1xf32>
      %parallel_loop3A_770 = vector.broadcast %parallel_loop3A_769 : f32 to vector<16xf32>
      %parallel_loop3A_771 = arith.select %parallel_loop3A_764, %parallel_loop3A_770, %parallel_loop3A_734 : vector<16xi1>, vector<16xf32>
      %parallel_loop3A_772 = arith.constant 14 : i32
      %parallel_loop3A_773 = arith.addi %parallel_loop3A_251, %parallel_loop3A_772 : i32
      %parallel_loop3A_774 = arith.index_cast %parallel_loop3A_773 : i32 to index
      %parallel_loop3A_775 = arith.constant 0 : index
      %parallel_loop3A_776 = tpu.vector_load %arg13[%parallel_loop3A_774, %parallel_loop3A_775] {strides = array<i32>} : memref<512x32xf32, #tpu.memory_space<vmem>>, vector<16xf32>,
      %parallel_loop3A_777 = arith.index_cast %parallel_loop3A_773 : i32 to index
      %parallel_loop3A_778 = arith.constant 16 : index
      %parallel_loop3A_779 = tpu.vector_load %arg13[%parallel_loop3A_777, %parallel_loop3A_778] {strides = array<i32>} : memref<512x32xf32, #tpu.memory_space<vmem>>, vector<16xf32>,
      %parallel_loop3A_780 = arith.index_cast %parallel_loop3A_773 : i32 to index
      %parallel_loop3A_781 = arith.constant 0 : index
      %parallel_loop3A_782 = tpu.vector_load %arg9[%parallel_loop3A_780, %parallel_loop3A_781] {strides = array<i32>} : memref<512x32xf32, #tpu.memory_space<vmem>>, vector<16xf32>,
      %parallel_loop3A_783 = arith.index_cast %parallel_loop3A_773 : i32 to index
      %parallel_loop3A_784 = arith.constant 16 : index
      %parallel_loop3A_785 = tpu.vector_load %arg9[%parallel_loop3A_783, %parallel_loop3A_784] {strides = array<i32>} : memref<512x32xf32, #tpu.memory_space<vmem>>, vector<16xf32>,
      %parallel_loop3A_786 = arith.index_cast %parallel_loop3A_773 : i32 to index
      %parallel_loop3A_787 = arith.constant 0 : index
      %parallel_loop3A_788 = tpu.vector_load %arg15[%parallel_loop3A_786, %parallel_loop3A_787] {strides = array<i32>} : memref<512x32xf32, #tpu.memory_space<vmem>>, vector<16xf32>,
      %parallel_loop3A_789 = arith.index_cast %parallel_loop3A_773 : i32 to index
      %parallel_loop3A_790 = arith.constant 16 : index
      %parallel_loop3A_791 = tpu.vector_load %arg15[%parallel_loop3A_789, %parallel_loop3A_790] {strides = array<i32>} : memref<512x32xf32, #tpu.memory_space<vmem>>, vector<16xf32>,
      %parallel_loop3A_792 = arith.addf %parallel_loop3A_776, %parallel_loop3A_782 : vector<16xf32>
      %parallel_loop3A_793 = arith.subf %parallel_loop3A_792, %parallel_loop3A_788 : vector<16xf32>
      %parallel_loop3A_794 = arith.addf %parallel_loop3A_779, %parallel_loop3A_785 : vector<16xf32>
      %parallel_loop3A_795 = arith.subf %parallel_loop3A_794, %parallel_loop3A_791 : vector<16xf32>
      %parallel_loop3A_796 = arith.mulf %parallel_loop3A_793, %parallel_loop3A_793 : vector<16xf32>
      %parallel_loop3A_797 = arith.mulf %parallel_loop3A_795, %parallel_loop3A_795 : vector<16xf32>
      %parallel_loop3A_798 = arith.addf %parallel_loop3A_796, %parallel_loop3A_797 : vector<16xf32>
      %parallel_loop3A_799 = arith.constant 14 : i32
      %parallel_loop3A_800 = vector.broadcast %parallel_loop3A_799 : i32 to vector<16xi32>
      %parallel_loop3A_801 = arith.cmpi eq, %iota3A, %parallel_loop3A_800 : vector<16xi32>
      %parallel_loop3A_802 = arith.constant true
      %parallel_loop3A_803 = vector.broadcast %parallel_loop3A_802 : i1 to vector<16xi1>
      %parallel_loop3A_804 = tpu.scan <sum>, %parallel_loop3A_798 masked %parallel_loop3A_803 : vector<16xf32>, vector<16xi1> -> vector<16xf32>
      %parallel_loop3A_805 = vector.extract_strided_slice %parallel_loop3A_804 {offsets = [15], sizes = [1], strides = [1]} : vector<16xf32> to vector<1xf32>
      %parallel_loop3A_806 = vector.extract %parallel_loop3A_805[0] : f32 from vector<1xf32>
      %parallel_loop3A_807 = vector.broadcast %parallel_loop3A_806 : f32 to vector<16xf32>
      %parallel_loop3A_808 = arith.select %parallel_loop3A_801, %parallel_loop3A_807, %parallel_loop3A_771 : vector<16xi1>, vector<16xf32>
      %parallel_loop3A_809 = arith.constant 15 : i32
      %parallel_loop3A_810 = arith.addi %parallel_loop3A_251, %parallel_loop3A_809 : i32
      %parallel_loop3A_811 = arith.index_cast %parallel_loop3A_810 : i32 to index
      %parallel_loop3A_812 = arith.constant 0 : index
      %parallel_loop3A_813 = tpu.vector_load %arg13[%parallel_loop3A_811, %parallel_loop3A_812] {strides = array<i32>} : memref<512x32xf32, #tpu.memory_space<vmem>>, vector<16xf32>,
      %parallel_loop3A_814 = arith.index_cast %parallel_loop3A_810 : i32 to index
      %parallel_loop3A_815 = arith.constant 16 : index
      %parallel_loop3A_816 = tpu.vector_load %arg13[%parallel_loop3A_814, %parallel_loop3A_815] {strides = array<i32>} : memref<512x32xf32, #tpu.memory_space<vmem>>, vector<16xf32>,
      %parallel_loop3A_817 = arith.index_cast %parallel_loop3A_810 : i32 to index
      %parallel_loop3A_818 = arith.constant 0 : index
      %parallel_loop3A_819 = tpu.vector_load %arg9[%parallel_loop3A_817, %parallel_loop3A_818] {strides = array<i32>} : memref<512x32xf32, #tpu.memory_space<vmem>>, vector<16xf32>,
      %parallel_loop3A_820 = arith.index_cast %parallel_loop3A_810 : i32 to index
      %parallel_loop3A_821 = arith.constant 16 : index
      %parallel_loop3A_822 = tpu.vector_load %arg9[%parallel_loop3A_820, %parallel_loop3A_821] {strides = array<i32>} : memref<512x32xf32, #tpu.memory_space<vmem>>, vector<16xf32>,
      %parallel_loop3A_823 = arith.index_cast %parallel_loop3A_810 : i32 to index
      %parallel_loop3A_824 = arith.constant 0 : index
      %parallel_loop3A_825 = tpu.vector_load %arg15[%parallel_loop3A_823, %parallel_loop3A_824] {strides = array<i32>} : memref<512x32xf32, #tpu.memory_space<vmem>>, vector<16xf32>,
      %parallel_loop3A_826 = arith.index_cast %parallel_loop3A_810 : i32 to index
      %parallel_loop3A_827 = arith.constant 16 : index
      %parallel_loop3A_828 = tpu.vector_load %arg15[%parallel_loop3A_826, %parallel_loop3A_827] {strides = array<i32>} : memref<512x32xf32, #tpu.memory_space<vmem>>, vector<16xf32>,
      %parallel_loop3A_829 = arith.addf %parallel_loop3A_813, %parallel_loop3A_819 : vector<16xf32>
      %parallel_loop3A_830 = arith.subf %parallel_loop3A_829, %parallel_loop3A_825 : vector<16xf32>
      %parallel_loop3A_831 = arith.addf %parallel_loop3A_816, %parallel_loop3A_822 : vector<16xf32>
      %parallel_loop3A_832 = arith.subf %parallel_loop3A_831, %parallel_loop3A_828 : vector<16xf32>
      %parallel_loop3A_833 = arith.mulf %parallel_loop3A_830, %parallel_loop3A_830 : vector<16xf32>
      %parallel_loop3A_834 = arith.mulf %parallel_loop3A_832, %parallel_loop3A_832 : vector<16xf32>
      %parallel_loop3A_835 = arith.addf %parallel_loop3A_833, %parallel_loop3A_834 : vector<16xf32>
      %parallel_loop3A_836 = arith.constant 15 : i32
      %parallel_loop3A_837 = vector.broadcast %parallel_loop3A_836 : i32 to vector<16xi32>
      %parallel_loop3A_838 = arith.cmpi eq, %iota3A, %parallel_loop3A_837 : vector<16xi32>
      %parallel_loop3A_839 = arith.constant true
      %parallel_loop3A_840 = vector.broadcast %parallel_loop3A_839 : i1 to vector<16xi1>
      %parallel_loop3A_841 = tpu.scan <sum>, %parallel_loop3A_835 masked %parallel_loop3A_840 : vector<16xf32>, vector<16xi1> -> vector<16xf32>
      %parallel_loop3A_842 = vector.extract_strided_slice %parallel_loop3A_841 {offsets = [15], sizes = [1], strides = [1]} : vector<16xf32> to vector<1xf32>
      %parallel_loop3A_843 = vector.extract %parallel_loop3A_842[0] : f32 from vector<1xf32>
      %parallel_loop3A_844 = vector.broadcast %parallel_loop3A_843 : f32 to vector<16xf32>
      %parallel_loop3A_845 = arith.select %parallel_loop3A_838, %parallel_loop3A_844, %parallel_loop3A_808 : vector<16xi1>, vector<16xf32>
      %parallel_loop3A_846 = vector.bitcast %parallel_loop3A_845 : vector<16xf32> to vector<16xi32>
      %parallel_loop3A_847 = arith.constant 1 : i32
      %parallel_loop3A_848 = vector.broadcast %parallel_loop3A_847 : i32 to vector<16xi32>
      %parallel_loop3A_849 = arith.shrui %parallel_loop3A_846, %parallel_loop3A_848 : vector<16xi32>
      %parallel_loop3A_850 = arith.constant 1597463007 : i32
      %parallel_loop3A_851 = vector.broadcast %parallel_loop3A_850 : i32 to vector<16xi32>
      %parallel_loop3A_852 = arith.subi %parallel_loop3A_851, %parallel_loop3A_849 : vector<16xi32>
      %parallel_loop3A_853 = vector.bitcast %parallel_loop3A_852 : vector<16xi32> to vector<16xf32>
      %parallel_loop3A_854 = arith.constant 5.000000e-01 : f32
      %parallel_loop3A_855 = vector.broadcast %parallel_loop3A_854 : f32 to vector<16xf32>
      %parallel_loop3A_856 = arith.mulf %parallel_loop3A_845, %parallel_loop3A_855 : vector<16xf32>
      %parallel_loop3A_857 = arith.mulf %parallel_loop3A_856, %parallel_loop3A_853 : vector<16xf32>
      %parallel_loop3A_858 = arith.mulf %parallel_loop3A_857, %parallel_loop3A_853 : vector<16xf32>
      %parallel_loop3A_859 = arith.constant 1.500000e+00 : f32
      %parallel_loop3A_860 = vector.broadcast %parallel_loop3A_859 : f32 to vector<16xf32>
      %parallel_loop3A_861 = arith.subf %parallel_loop3A_860, %parallel_loop3A_858 : vector<16xf32>
      %parallel_loop3A_862 = arith.mulf %parallel_loop3A_853, %parallel_loop3A_861 : vector<16xf32>
      %parallel_loop3A_863 = arith.mulf %parallel_loop3A_856, %parallel_loop3A_862 : vector<16xf32>
      %parallel_loop3A_864 = arith.mulf %parallel_loop3A_863, %parallel_loop3A_862 : vector<16xf32>
      %parallel_loop3A_865 = arith.constant 1.500000e+00 : f32
      %parallel_loop3A_866 = vector.broadcast %parallel_loop3A_865 : f32 to vector<16xf32>
      %parallel_loop3A_867 = arith.subf %parallel_loop3A_866, %parallel_loop3A_864 : vector<16xf32>
      %parallel_loop3A_868 = arith.mulf %parallel_loop3A_862, %parallel_loop3A_867 : vector<16xf32>
      %parallel_loop3A_869 = arith.mulf %parallel_loop3A_856, %parallel_loop3A_868 : vector<16xf32>
      %parallel_loop3A_870 = arith.mulf %parallel_loop3A_869, %parallel_loop3A_868 : vector<16xf32>
      %parallel_loop3A_871 = arith.constant 1.500000e+00 : f32
      %parallel_loop3A_872 = vector.broadcast %parallel_loop3A_871 : f32 to vector<16xf32>
      %parallel_loop3A_873 = arith.subf %parallel_loop3A_872, %parallel_loop3A_870 : vector<16xf32>
      %parallel_loop3A_874 = arith.mulf %parallel_loop3A_868, %parallel_loop3A_873 : vector<16xf32>
      %parallel_loop3A_875 = arith.mulf %parallel_loop3A_845, %parallel_loop3A_874 : vector<16xf32>
      %parallel_loop3A_876 = arith.index_cast %parallel_loop3A_251 : i32 to index
      %parallel_loop3A_877 = tpu.vector_load %arg11[%parallel_loop3A_876] {strides = array<i32>} : memref<512xf32, #tpu.memory_space<vmem>>, vector<16xf32>,
      tpu.vector_store %arg11[%parallel_loop3A_876], %parallel_loop3A_875 {strides = array<i32>} : memref<512xf32, #tpu.memory_space<vmem>>, vector<16xf32>,
    } {sc.loop_unroll_factor = 1 : i64, sc.parallel_access}
    "tpu.region"() ({
      %run_scoped3A = tpu.sem_alloc : memref<!tpu.dma_semaphore, #tpu.memory_space<semaphore_mem>>
      %dma_start3A_249 = tpu.memref_slice %arg7[%mul3A_2] : memref<16384xf32, #tpu.memory_space<hbm>> -> memref<512xf32, #tpu.memory_space<hbm>>
      %dma_start3A_250 = tpu.memref_slice %arg7[%mul3A_2] : memref<16384xf32, #tpu.memory_space<hbm>> -> memref<512xf32, #tpu.memory_space<hbm>>
      tpu.enqueue_dma source(%arg11 : memref<512xf32, #tpu.memory_space<vmem>>) target(%dma_start3A_250 : memref<512xf32, #tpu.memory_space<hbm>>) target_semaphore(%run_scoped3A : memref<!tpu.dma_semaphore, #tpu.memory_space<semaphore_mem>>)
      %dma_wait3A_251 = tpu.memref_slice %arg7[%mul3A_2] : memref<16384xf32, #tpu.memory_space<hbm>> -> memref<512xf32, #tpu.memory_space<hbm>>
      %dma_wait3A_252 = tpu.memref_slice %arg7[%mul3A_2] : memref<16384xf32, #tpu.memory_space<hbm>> -> memref<512xf32, #tpu.memory_space<hbm>>
      tpu.wait_dma2 semaphore(%run_scoped3A : memref<!tpu.dma_semaphore, #tpu.memory_space<semaphore_mem>>) src(%arg11 : memref<512xf32, #tpu.memory_space<vmem>>) dst(%dma_wait3A_252 : memref<512xf32, #tpu.memory_space<hbm>>)
      tpu.yield
    }) : () -> ()
    return
  }
}

</mosaic_0001>

<sc_bundles>
// kernel: kernel.3.cloned.1.call-start
scs
__scs_entry_jumppad:
0x0: {  	(pc) =	sbr.rel $0x88, $3  }
0x1: {  	(tag) =	ssettag $0x0;
	lr =	simm.s32 $0x1  }
0x2: {  	[smem:$0x3F9C] =	sst lr;
	_ =	strace $0xD0000000  }
0x3: {  	_ = 	snop  }
0x4: {  	_ = 	snop  }
0x5: {  	_ = 	snop  }
0x6: {  	_ = 	snop  }
0x7: {  	_ = 	snop  }
__scs_overlays_trampoline_lowered:
0x8: {  	[smem:$0x3FAB] =	sst s0  }
0x9: {  	[smem:$0x3FAC] =	sst s1  }
0xa: {  	[smem:$0x3FAD] =	sst s2  }
0xb: {  	[smem:$0x3FAE] =	sst s3  }
0xc: {  	[smem:$0x3FAF] =	sst s4  }
0xd: {  	[smem:$0x3FB0] =	sst s5  }
0xe: {  	[smem:$0x3FB1] =	sst s6  }
0xf: {  	[smem:$0x3FB2] =	sst s7  }
0x10: {  	[smem:$0x3FB3] =	sst s8  }
0x11: {  	[smem:$0x3FB4] =	sst s9;
	s0 =	simm.s32 @!p0 $0x0  }
0x12: {  	s1 =	sld [smem:$0x3F9A];
	s0 =	simm.s32 @p0 $0x1  }
0x13: {  	[smem:$0x3FB5] =	sst s0;
	s0 =	simm.s32 @!p1 $0x0  }
0x14: {  	s2 =	sld [smem:$0x3F99];
	s0 =	simm.s32 @p1 $0x1  }
0x15: {  	[smem:$0x3FB6] =	sst s0;
	s0 =	simm.s32 @!p2 $0x0  }
0x16: {  	s3 =	sld [smem:$0x3FDB];
	s0 =	simm.s32 @p2 $0x1  }
0x17: {  	s4 =	simm.s32 $0x1BF5;
	[smem:$0x3FB8] =	sst s0  }
0x18: {  	s0 =	sld [smem:$0x3F9B];
	_ =	swait.ge [sflag:s4], $0x0  }
0x19: {  	s7 =	sld [smem:$0x3F9C]  }
0x1a: {  	s8 =	sadd.s32 $0xFFFFE003, lr  }
0x1b: {  	s9 =	sadd.s32 $0xFFFFFEF7, lr;
	s5 =	simm.s32 $0xFFFFFFFF;
	p2 =	slt.u32 s8, $0xFFFFF086  }
0x1c: {  	p1 =	slt.u32 s9, $0xF7A;
	s5 =	simm.s32 @!p2 $0x0  }
0x1d: {  	s5 =	simm.s32 @p1 $0x1;
	p0 =	seq.s32 s7, s2  }
0x1e: {  	s7 =	smul.u32 @!p0 $0xF7A, s2;
	p2 =	seq.s32 @!p0 s5, $0x0  }
0x1f: {  	s9 =	smul.u32 $0xF7A, s1;
	s8 =	simm.s32 @!p0 $0x1BF5;
	p2 =	por !p2, p0  }
0x20: {  	[sflag:s8] =	ssyncset.s32 @!p0 $0xFFFFF086;
	s6 =	sadd.s32 @!p0 s3, s7;
	s7 =	simm.s32 @!p0 $0x108  }
0x21: {  	s3 =	sadd.s32 s3, s9;
	s6 =	sadd.s32 @!p0 $0x88, s6;
	s7 =	simm.s32 @p2 $0x1082  }
0x22: {  	[simem:s7], [sflag:s8] =	dma.local @!p0 [hbm:s6], $0xF7A  }
0x23: {  	s9 =	sor.u32 $0xD0000000, s2;
	s6 =	simm.s32 $0x108;
	_ =	swait.ge @!p0 [sflag:s8], $0x0  }
0x24: {  	s3 =	sadd.s32 $0x88, s3;
	s6 =	simm.s32 @!p1 $0x1082;
	[sflag:s4] =	ssyncset.s32 $0xFFFFF086  }
0x25: {  	[simem:s6], [sflag:s4] =	dma.local [hbm:s3], $0xF7A  }
0x26: {  	[smem:$0x3F9C] =	sst s1;
	(tag) =	ssettag s2;
	_ =	strace s9  }
0x27: {  	s1 =	sld [smem:$0x3FAC]  }
0x28: {  	s2 =	sld [smem:$0x3FAD]  }
0x29: {  	s4 =	sld [smem:$0x3FAF]  }
0x2a: {  	p0 =	seq.s32 s5, $0x0;
	s5 =	sld [smem:$0x3FB0]  }
0x2b: {  	s6 =	sld [smem:$0x3FB1]  }
0x2c: {  	s7 =	sld [smem:$0x3FB2]  }
0x2d: {  	s3 =	simm.s32 $0x108;
	s8 =	sld [smem:$0x3FB3]  }
0x2e: {  	s3 =	simm.s32 @!p0 $0x1082;
	s9 =	sld [smem:$0x3FB4]  }
0x2f: {  	lr =	sadd.s32 s0, s3;
	s0 =	sld [smem:$0x3FAB]  }
0x30: {  	s3 =	sld [smem:$0x3FAE]  }
0x31: {  	[smem:$0x3FB7] =	sst s10  }
0x32: {  	s10 =	sld [smem:$0x3FB5];
	_ =	sdelay $0x3  }
0x33: {  	p0 =	seq.s32 s10, $0x1;
	s10 =	sld [smem:$0x3FB7];
	_ =	sdelay $0x3  }
0x34: {  	[smem:$0x3FB7] =	sst s10  }
0x35: {  	s10 =	sld [smem:$0x3FB6];
	_ =	sdelay $0x3  }
0x36: {  	p1 =	seq.s32 s10, $0x1;
	s10 =	sld [smem:$0x3FB7];
	_ =	sdelay $0x3  }
0x37: {  	[smem:$0x3FB7] =	sst s10  }
0x38: {  	s10 =	sld [smem:$0x3FB8]  }
0x39: {  	_ = 	snop;
	(pc) =	sbr.ind lr, $3  }
0x3a: {  	_ = 	snop  }
0x3b: {  	_ = 	snop  }
0x3c: {  	p2 =	seq.s32 s10, $0x1;
	s10 =	sld [smem:$0x3FB7]  }
0x3d: {  	_ =	shalt  }
0x3e: {  	_ =	shalt  }
0x3f: {  	_ =	shalt  }
0x40: {  	_ =	shalt  }
0x41: {  	_ =	shalt  }
0x42: {  	_ =	shalt  }
0x43: {  	_ =	shalt  }
0x44: {  	_ =	shalt  }
0x45: {  	_ =	shalt  }
0x46: {  	_ =	shalt  }
0x47: {  	_ =	shalt  }
0x48: {  	_ =	shalt  }
0x49: {  	_ =	shalt  }
0x4a: {  	_ =	shalt  }
0x4b: {  	_ =	shalt  }
0x4c: {  	_ =	shalt  }
0x4d: {  	_ =	shalt  }
0x4e: {  	_ =	shalt  }
0x4f: {  	_ =	shalt  }
0x50: {  	_ =	shalt  }
0x51: {  	_ =	shalt  }
0x52: {  	_ =	shalt  }
0x53: {  	_ =	shalt  }
0x54: {  	_ =	shalt  }
0x55: {  	_ =	shalt  }
0x56: {  	_ =	shalt  }
0x57: {  	_ =	shalt  }
0x58: {  	_ =	shalt  }
0x59: {  	_ =	shalt  }
0x5a: {  	_ =	shalt  }
0x5b: {  	_ =	shalt  }
0x5c: {  	_ =	shalt  }
0x5d: {  	_ =	shalt  }
0x5e: {  	_ =	shalt  }
0x5f: {  	_ =	shalt  }
0x60: {  	_ =	shalt  }
0x61: {  	_ =	shalt  }
0x62: {  	_ =	shalt  }
0x63: {  	_ =	shalt  }
0x64: {  	_ =	shalt  }
0x65: {  	_ =	shalt  }
0x66: {  	_ =	shalt  }
0x67: {  	_ =	shalt  }
0x68: {  	_ =	shalt  }
0x69: {  	_ =	shalt  }
0x6a: {  	_ =	shalt  }
0x6b: {  	_ =	shalt  }
0x6c: {  	_ =	shalt  }
0x6d: {  	_ =	shalt  }
0x6e: {  	_ =	shalt  }
0x6f: {  	_ =	shalt  }
0x70: {  	_ =	shalt  }
0x71: {  	_ =	shalt  }
0x72: {  	_ =	shalt  }
0x73: {  	_ =	shalt  }
0x74: {  	_ =	shalt  }
0x75: {  	_ =	shalt  }
0x76: {  	_ =	shalt  }
0x77: {  	_ =	shalt  }
0x78: {  	_ =	shalt  }
0x79: {  	_ =	shalt  }
0x7a: {  	_ =	shalt  }
0x7b: {  	_ =	shalt  }
0x7c: {  	_ =	shalt  }
0x7d: {  	_ =	shalt  }
0x7e: {  	_ =	shalt  }
0x7f: {  	_ =	shalt  }
0x80: {  	_ =	shalt  }
0x81: {  	_ =	shalt  }
0x82: {  	_ =	shalt  }
0x83: {  	_ =	shalt  }
0x84: {  	_ =	shalt  }
0x85: {  	_ =	shalt  }
0x86: {  	_ =	shalt  }
0x87: {  	_ =	shalt  }
.Lfunc_end0:
.L_simem_size_0:
called_computation_lowered:
.L_overlay_start_0:
0x88: {  	s2 =	sld [smem:$0x3FD9]  }
0x89: {  	s3 =	sld [smem:$0x3FFE];
	_ =	sdelay $0x1  }
0x8a: {  	s1 =	srdreg.scid  }
0x8b: {  	s0 =	sand.u32 $0x1, s1  }
0x8c: {  	s17 =	sshll.u32 s0, $0xA;
	s2 =	sadd.s32 s3, s2  }
0x8d: {  	s2 =	sadd.s32 s2, s17  }
0x8e: {  	[smem:$0x3FC3] =	sst s2  }
0x8f: {  	_ = 	snop  }
0x90: {  	s2 =	sld [smem:$0x3FC9]  }
0x91: {  	s18 =	sld [smem:$0x3FC8]  }
0x92: {  	s4 =	sld [smem:$0x3FC7]  }
0x93: {  	s5 =	sld [smem:$0x3FD0];
	(tm) =	ssettm $0x1  }
0x94: {  	s6 =	sld [smem:$0x3FFB];
	_ =	sdelay $0x3  }
0x95: {  	_ =	strace s6  }
0x96: {  	s6 =	sld [smem:$0x3FFC];
	_ =	sdelay $0x3  }
0x97: {  	_ =	strace s6  }
0x98: {  	s6 =	sld [smem:$0x3FFD];
	_ =	sdelay $0x3  }
0x99: {  	_ =	strace s6  }
0x9a: {  	_ =	strace $0x8FFFFFFF  }
0x9b: {  	s19 =	sld [smem:$0x3FDB];
	_ =	sdelay $0x1  }
0x9c: {  	s7 =	simm.s32 $_scs_section_size  }
0x9d: {  	s8 =	simm.s32 $_size__tile_overlayer_lowered;
	s9 =	simm.s32 $_tile_overlayer_lowered  }
0x9e: {  	s22 =	simm.s32 $0x1BFF;
	s21 =	sshll.u32 s9, $0x1;
	s6 =	sadd.s32 s7, s19  }
0x9f: {  	s10 =	simm.s32 $0x0;
	s20 =	sshll.u32 s8, $0x1;
	s8 =	sadd.s32 s21, s6  }
0xa0: {  	[timem:s10], [sflag:s22] =	dma.local [hbm:s8], s20  }
0xa1: {  	_ =	swait.ge [sflag:s22], s20  }
0xa2: {  	s7 =	ssub.s32 $0x0, s20;
	[sflag:s22] =	ssyncset.done $0x0  }
0xa3: {  	[sflag:s22] =	ssyncadd.s32 s7;
	_ =	sdelay $0x1  }
0xa4: {  	s23 =	simm.s32 $0x1B8B  }
0xa5: {  	_ =	swait.ge [sflag:s23], $0x1  }
0xa6: {  	[sflag:s23] =	ssyncset.done $0x0  }
0xa7: {  	s25 =	simm.s32 $0x1B8E;
	s24 =	sld [smem:$0x3FFE];
	[sflag:s23] =	ssyncadd.s32 $0xFFFFFFFF  }
0xa8: {  	s26 =	simm.s32 $execute0_lowered;
	[smem:$0x3FD2] =	sst s25  }
0xa9: {  	s8 =	sshll.u32 s26, $0x1;
	_ =	strace $0x80000046;
	[dreg:$0x1] =	wrdreg $0xFFFFFFFF  }
0xaa: {  	s28 =	simm.s32 $_size_execute0_lowered;
	s6 =	sadd.s32 s6, s8;
	[dreg:$0x0] =	wrdreg $0x0  }
0xab: {  	s8 =	sshll.u32 s28, $0x1;
	[dreg:$0x2] =	wrdreg s6  }
0xac: {  	[dreg:$0x3] =	wrdreg s8  }
0xad: {  	[dreg:$0x4] =	wrdreg $0xC0  }
0xae: {  	_ =	task [dreg:s10], $0x5FFFF  }
0xaf: {  	[dreg:$0x1] =	wrdreg $0xFFFFFFFF  }
0xb0: {  	[dreg:$0x0] =	wrdreg $0x60  }
0xb1: {  	[dreg:$0x2] =	wrdreg s24  }
0xb2: {  	[dreg:$0x3] =	wrdreg s2  }
0xb3: {  	[dreg:$0x4] =	wrdreg s18  }
0xb4: {  	[dreg:$0x5] =	wrdreg s4  }
0xb5: {  	[dreg:$0x6] =	wrdreg s5  }
0xb6: {  	[dreg:$0x7] =	wrdreg $0x9  }
0xb7: {  	_ =	task.clear_ibuf [dreg:s10], $0x8FFFF;
	_ =	strace $0x90000046  }
0xb8: {  	s29 =	simm.s32 $0x9;
	_ =	strace $0x80000048  }
0xb9: {  	_ =	swait.ge [sflag:s29], $0x1  }
0xba: {  	[sflag:s29] =	ssyncadd.s32 $0xFFFFFFFF  }
0xbb: {  	_ =	strace $0x90000048  }
0xbc: {  	_ =	sfence  }
0xbd: {  	s30 =	sld [smem:$0x0];
	_ =	sdelay $0x2  }
0xbe: {  	s31 =	sshll.u32 s1, $0xD;
	s1 =	sshrl.u32 s1, $0x2  }
0xbf: {  	s3 =	sand.u32 $0x4000, s31;
	s1 =	sadd.s32 s1, s30  }
0xc0: {  	s0 =	sor.u32 s3, s0;
	s1 =	sshll.u32 s1, $0x11  }
0xc1: {  	s0 =	sor.u32 s1, s0  }
0xc2: {  	s0 =	sadd.s32 $0x8F2B, s0  }
0xc3: {  	[sflag:s0] =	ssyncadd.remote.s32 $0x1  }
0xc4: {  	_ =	sfence.sel $0xFFFF  }
0xc5: {  	[dreg:$0x0] =	wrdreg $0xFFFFFFFF;
	(pc) =	sbr.abs _section_cstart, $3  }
0xc6: {  	[dreg:$0x1] =	wrdreg $0xFFFFFFFF  }
0xc7: {  	_ =	task.clear_ibuf [dreg:s10], $0x2FFFF;
	_ =	strace $0x9FFFFFFF  }
0xc8: {  	(tm) =	ssettm $0x7FFFFFFF  }
0xc9: {  	_ =	shalt  }
tec
execute0_lowered:
.L_overlay_start_1:
0x0: {  	(tag) =	ssettag $0x1  }
0x1: {  	s0 =	rddreg [dreg:$0x0]  }
0x2: {  	s2 =	rddreg [dreg:$0x1]  }
0x3: {  	s6 =	rddreg [dreg:$0x2]  }
0x4: {  	s7 =	rddreg [dreg:$0x3]  }
0x5: {  	s8 =	rddreg [dreg:$0x4]  }
0x6: {  	s1 =	simm.s32 $0x0;
	s4 =	srdreg.scid;
	s9 =	stileid.u32  }
0x7: {  	s11 =	simm.s32 $0x2;
	s12 =	simm.s32 $0x8600;
	s13 =	simm.s32 $0x80  }
0x8: {  	s21 =	simm.s32 $0x1200;
	s22 =	simm.s32 $0x4500;
	s23 =	simm.s32 $0x6600  }
0x9: {  	s24 =	simm.s32 $0x8700;
	s25 =	simm.s32 $0xA800;
	s28 =	simm.s32 $0x2200  }
0xa: {  	s29 =	simm.s32 $0x4580;
	s30 =	simm.s32 $0x7600;
	s31 =	simm.s32 $0x8780  }
0xb: {  	s14 =	simm.s32 $0x3200;
	s15 =	simm.s32 $0x1;
	s16 =	simm.s32 $0x4200  }
0xc: {  	s17 =	simm.s32 $0x0;
	[smem:$0x7FF] =	sst s1;
	s3 =	sadd.s32 $0xF42A00, s0  }
0xd: {  	s4 =	sand.u32 $0x1, s4;
	s9 =	sshll.u32 s9, $0x7;
	_ =	strace $0x80000047  }
0xe: {  	vm0 =	vmmov $0x1;
	vm1 =	vmmov $0x3;
	vm2 =	vmmov $0x7;
	s5 =	ssub.s32 $0x2, s4;
	s10 =	sshll.u32 s4, $0x6;
	s4 =	sadd.s32 $0x600, s0  }
0xf: {  	vm3 =	vmmov $0xf;
	vm4 =	vmmov $0x1f;
	vm5 =	vmmov $0x3f;
	s26 =	sshrl.u32 s5, $0x1;
	s9 =	sor.u32 s10, s9;
	s10 =	simm.s32 $0x4400  }
0x10: {  	vm6 =	vmmov $0x7f;
	vm7 =	vmmov $0xff;
	vm8 =	vmmov $0x1ff;
	s0 =	ssub.s32 s5, s26;
	s5 =	sadd.s32 s2, s9;
	s6 =	sadd.s32 s6, s9  }
0x11: {  	vm9 =	vmmov $0x3ff;
	vm10 =	vmmov $0x7ff;
	vm11 =	vmmov $0xfff;
	s7 =	sadd.s32 s7, s9;
	s8 =	sadd.s32 s8, s9;
	s26 =	simm.s32 $0x100  }
0x12: {  	vm12 =	vmmov $0x1fff;
	vm13 =	vmmov $0x3fff;
	vm14 =	vmmov $0x7fff;
	s2 =	simm.s32 $0x180;
	s9 =	smax.u32 s0, $0x1;
	s0 =	simm.s32 $0xB800  }
.LBB2_1:
0x13: {  	[tilespmem:s10], [sflag:$0x2] =	stream.linear.gather [hbm4b:s5+s1], $0x200, $0x38;
	[tilespmem:$0xC800] =	vst v63  }
0x14: {  	_ =	swait.ge [sflag:s11], $0x200  }
0x15: {  	[sflag:s11] =	ssyncset.done $0x0  }
0x16: {  	[sflag:s11] =	ssyncadd.s32 $0xFFFFFE00  }
0x17: {  	[tilespmem:s1], [sflag:$0x2] =	stream.linear.gather [hbm4b:s6+s1], $0x200, $0x38;
	[tilespmem:$0xC800] =	vst v63  }
0x18: {  	_ =	swait.ge [sflag:s11], $0x200  }
0x19: {  	[sflag:s11] =	ssyncset.done $0x0  }
0x1a: {  	[sflag:s11] =	ssyncadd.s32 $0xFFFFFE00  }
0x1b: {  	[tilespmem:s12], [sflag:$0x2] =	stream.linear.gather [hbm4b:s7+s1], $0x200, $0x38;
	[tilespmem:$0xC800] =	vst v63  }
0x1c: {  	_ =	swait.ge [sflag:s11], $0x200  }
0x1d: {  	[sflag:s11] =	ssyncset.done $0x0  }
0x1e: {  	s18 =	simm.s32 $0x4600;
	[sflag:s11] =	ssyncadd.s32 $0xFFFFFE00  }
0x1f: {  	[tilespmem:s18], [sflag:$0x1] =	stream.indirect.gather [hbm4b:s3+s13], $0x20, s10, s13, $0xb8;
	[tilespmem:$0xC800] =	vst v63  }
0x20: {  	s20 =	simm.s32 $0x8800  }
0x21: {  	[tilespmem:s20], [sflag:$0x1] =	stream.indirect.gather [hbm4b:s3+s13], $0x20, s12, s13, $0xb8;
	[tilespmem:$0xC800] =	vst v63  }
0x22: {  	s19 =	simm.s32 $0x200  }
0x23: {  	[tilespmem:s19], [sflag:$0x1] =	stream.indirect.gather [hbm4b:s4+s13], $0x20, s1, s13, $0xb8;
	[tilespmem:$0xC800] =	vst v63  }
0x24: {  	s20 =	simm.s32 $0x4480;
	s19 =	simm.s32 $0x5600  }
0x25: {  	[tilespmem:s19], [sflag:$0x1] =	stream.indirect.gather [hbm4b:s3+s13], $0x20, s20, s13, $0xb8;
	[tilespmem:$0xC800] =	vst v63  }
0x26: {  	s19 =	simm.s32 $0x8680;
	s20 =	simm.s32 $0x9800  }
0x27: {  	[tilespmem:s20], [sflag:$0x1] =	stream.indirect.gather [hbm4b:s3+s13], $0x20, s19, s13, $0xb8;
	[tilespmem:$0xC800] =	vst v63  }
0x28: {  	_ = 	snop  }
0x29: {  	[tilespmem:s21], [sflag:$0x1] =	stream.indirect.gather [hbm4b:s4+s13], $0x20, s13, s13, $0xb8;
	[tilespmem:$0xC800] =	vst v63  }
0x2a: {  	_ = 	snop  }
0x2b: {  	[tilespmem:s23], [sflag:$0x1] =	stream.indirect.gather [hbm4b:s3+s13], $0x20, s22, s13, $0xb8;
	[tilespmem:$0xC800] =	vst v63  }
0x2c: {  	_ = 	snop  }
0x2d: {  	[tilespmem:s25], [sflag:$0x1] =	stream.indirect.gather [hbm4b:s3+s13], $0x20, s24, s13, $0xb8;
	[tilespmem:$0xC800] =	vst v63  }
0x2e: {  	_ = 	snop  }
0x2f: {  	[tilespmem:s28], [sflag:$0x1] =	stream.indirect.gather [hbm4b:s4+s13], $0x20, s26, s13, $0xb8;
	[tilespmem:$0xC800] =	vst v63  }
0x30: {  	_ = 	snop  }
0x31: {  	[tilespmem:s30], [sflag:$0x1] =	stream.indirect.gather [hbm4b:s3+s13], $0x20, s29, s13, $0xb8;
	[tilespmem:$0xC800] =	vst v63  }
0x32: {  	_ = 	snop  }
0x33: {  	[tilespmem:s0], [sflag:$0x1] =	stream.indirect.gather [hbm4b:s3+s13], $0x20, s31, s13, $0xb8;
	[tilespmem:$0xC800] =	vst v63  }
0x34: {  	_ = 	snop  }
0x35: {  	[tilespmem:s14], [sflag:$0x1] =	stream.indirect.gather [hbm4b:s4+s13], $0x20, s2, s13, $0xb8;
	[tilespmem:$0xC800] =	vst v63  }
0x36: {  	_ =	swait.ge [sflag:s15], $0x1000  }
0x37: {  	[sflag:s15] =	ssyncset.done $0x0  }
0x38: {  	[sflag:s15] =	ssyncadd.s32 $0xFFFFF000  }
0x39: {  	_ =	swait.ge [sflag:s15], $0x1000  }
0x3a: {  	[sflag:s15] =	ssyncset.done $0x0  }
0x3b: {  	[sflag:s15] =	ssyncadd.s32 $0xFFFFF000  }
0x3c: {  	_ =	swait.ge [sflag:s15], $0x1000  }
0x3d: {  	[sflag:s15] =	ssyncset.done $0x0  }
0x3e: {  	[sflag:s15] =	ssyncadd.s32 $0xFFFFF000  }
0x3f: {  	_ =	swait.ge [sflag:s15], $0x1000  }
0x40: {  	[sflag:s15] =	ssyncset.done $0x0  }
0x41: {  	[sflag:s15] =	ssyncadd.s32 $0xFFFFF000  }
0x42: {  	_ =	swait.ge [sflag:s15], $0x1000  }
0x43: {  	[sflag:s15] =	ssyncset.done $0x0  }
0x44: {  	[sflag:s15] =	ssyncadd.s32 $0xFFFFF000  }
0x45: {  	_ =	swait.ge [sflag:s15], $0x1000  }
0x46: {  	[sflag:s15] =	ssyncset.done $0x0  }
0x47: {  	[sflag:s15] =	ssyncadd.s32 $0xFFFFF000  }
0x48: {  	_ =	swait.ge [sflag:s15], $0x1000  }
0x49: {  	[sflag:s15] =	ssyncset.done $0x0  }
0x4a: {  	[sflag:s15] =	ssyncadd.s32 $0xFFFFF000  }
0x4b: {  	_ =	swait.ge [sflag:s15], $0x1000  }
0x4c: {  	[sflag:s15] =	ssyncset.done $0x0  }
0x4d: {  	[sflag:s15] =	ssyncadd.s32 $0xFFFFF000  }
0x4e: {  	_ =	swait.ge [sflag:s15], $0x1000  }
0x4f: {  	[sflag:s15] =	ssyncset.done $0x0  }
0x50: {  	[sflag:s15] =	ssyncadd.s32 $0xFFFFF000  }
0x51: {  	_ =	swait.ge [sflag:s15], $0x1000  }
0x52: {  	[sflag:s15] =	ssyncset.done $0x0  }
0x53: {  	[sflag:s15] =	ssyncadd.s32 $0xFFFFF000  }
0x54: {  	_ =	swait.ge [sflag:s15], $0x1000  }
0x55: {  	[sflag:s15] =	ssyncset.done $0x0  }
0x56: {  	[sflag:s15] =	ssyncadd.s32 $0xFFFFF000  }
0x57: {  	_ =	swait.ge [sflag:s15], $0x1000  }
0x58: {  	[sflag:s15] =	ssyncset.done $0x0  }
0x59: {  	s20 =	simm.s32 $0x0;
	[sflag:s15] =	ssyncadd.s32 $0xFFFFF000  }
0x5a: {  	v4 =	vld [tilespmem:s20+$0x47E0]  }
0x5b: {  	v3 =	vld [tilespmem:s20+$0x47F0]  }
0x5c: {  	v5 =	vld [tilespmem:s20+$0x3E0]  }
0x5d: {  	v0 =	vld [tilespmem:s20+$0x89C0]  }
0x5e: {  	v1 =	vld [tilespmem:s20+$0x89D0]  }
0x5f: {  	v14 =	vld [tilespmem:s20+$0x8980]  }
0x60: {  	v15 =	vld [tilespmem:s20+$0x8990]  }
0x61: {  	v16 =	vld [tilespmem:s20+$0x47C0]  }
0x62: {  	v17 =	vld [tilespmem:s20+$0x47D0]  }
0x63: {  	v18 =	vld [tilespmem:s20+$0x3C0]  }
0x64: {  	v19 =	vld [tilespmem:s20+$0x3D0]  }
0x65: {  	v20 =	vld [tilespmem:s20+$0x8960]  }
0x66: {  	v21 =	vld [tilespmem:s20+$0x8970]  }
0x67: {  	v7 =	vld [tilespmem:s20+$0x47A0]  }
0x68: {  	v6 =	vld [tilespmem:s20+$0x47B0]  }
0x69: {  	v8 =	vld [tilespmem:s20+$0x3A0]  }
0x6a: {  	v22 =	vld [tilespmem:s20+$0x4780]  }
0x6b: {  	v23 =	vld [tilespmem:s20+$0x4790]  }
0x6c: {  	v24 =	vld [tilespmem:s20+$0x380]  }
0x6d: {  	v25 =	vld [tilespmem:s20+$0x390]  }
0x6e: {  	v26 =	vld [tilespmem:s20+$0x8920]  }
0x6f: {  	v27 =	vld [tilespmem:s20+$0x8930]  }
0x70: {  	v28 =	vld [tilespmem:s20+$0x4760]  }
0x71: {  	v29 =	vld [tilespmem:s20+$0x4770]  }
0x72: {  	v30 =	vld [tilespmem:s20+$0x360]  }
0x73: {  	v31 =	vld [tilespmem:s20+$0x370]  }
0x74: {  	v32 =	vld [tilespmem:s20+$0x8900]  }
0x75: {  	v33 =	vld [tilespmem:s20+$0x8910]  }
0x76: {  	v10 =	vld [tilespmem:s20+$0x4740]  }
0x77: {  	v9 =	vld [tilespmem:s20+$0x4750]  }
0x78: {  	v11 =	vld [tilespmem:s20+$0x340]  }
0x79: {  	v34 =	vld [tilespmem:s20+$0x4720]  }
0x7a: {  	v35 =	vld [tilespmem:s20+$0x4730]  }
0x7b: {  	v36 =	vld [tilespmem:s20+$0x320]  }
0x7c: {  	v37 =	vld [tilespmem:s20+$0x330]  }
0x7d: {  	v38 =	vld [tilespmem:s20+$0x88C0]  }
0x7e: {  	v39 =	vld [tilespmem:s20+$0x88D0]  }
0x7f: {  	v40 =	vld [tilespmem:s20+$0x4700]  }
0x80: {  	v41 =	vld [tilespmem:s20+$0x4710]  }
0x81: {  	v42 =	vld [tilespmem:s20+$0x300]  }
0x82: {  	v43 =	vld [tilespmem:s20+$0x310]  }
0x83: {  	v44 =	vld [tilespmem:s20+$0x88A0]  }
0x84: {  	v45 =	vld [tilespmem:s20+$0x88B0]  }
0x85: {  	v2 =	vld [tilespmem:s20+$0x46E0]  }
0x86: {  	v12 =	vld [tilespmem:s20+$0x46F0]  }
0x87: {  	v13 =	vld [tilespmem:s20+$0x2E0]  }
0x88: {  	v46 =	vld [tilespmem:s20+$0x46C0]  }
0x89: {  	v47 =	vld [tilespmem:s20+$0x46D0]  }
0x8a: {  	v48 =	vld [tilespmem:s20+$0x2C0]  }
0x8b: {  	v49 =	vld [tilespmem:s20+$0x2D0]  }
0x8c: {  	v50 =	vld [tilespmem:s20+$0x8860]  }
0x8d: {  	v51 =	vld [tilespmem:s20+$0x8870]  }
0x8e: {  	v52 =	vld [tilespmem:s20+$0x46A0]  }
0x8f: {  	v53 =	vld [tilespmem:s20+$0x46B0]  }
0x90: {  	v54 =	vld [tilespmem:s20+$0x2A0]  }
0x91: {  	v55 =	vld [tilespmem:s20+$0x2B0]  }
0x92: {  	v56 =	vld [tilespmem:s20+$0x8840]  }
0x93: {  	v57 =	vld [tilespmem:s20+$0x8850]  }
0x94: {  	v58 =	vld [tilespmem:s20+$0x4680]  }
0x95: {  	v59 =	vld [tilespmem:s20+$0x4690]  }
0x96: {  	v60 =	vld [tilespmem:s20+$0x280]  }
0x97: {  	v61 =	vld [tilespmem:s20+$0x8800]  }
0x98: {  	v62 =	vld [tilespmem:s20+$0x8810]  }
0x99: {  	v63 =	vld [tilespmem:s20+$0x4660];
	v16 =	vadd.f32 v18, v16;
	v17 =	vadd.f32 v19, v17  }
0x9a: {  	v18 =	vld [tilespmem:s20+$0x4670];
	v48 =	vadd.f32 v48, v46;
	v49 =	vadd.f32 v49, v47  }
0x9b: {  	v19 =	vld [tilespmem:s20+$0x260];
	v54 =	vadd.f32 v54, v52;
	v47 =	vadd.f32 v55, v53  }
0x9c: {  	v46 =	vld [tilespmem:s20+$0x290];
	v10 =	vadd.f32 v11, v10;
	v5 =	vadd.f32 v5, v4  }
0x9d: {  	v52 =	vld [tilespmem:s20+$0x88E0];
	v0 =	vsub.f32 v16, v0;
	v1 =	vsub.f32 v17, v1  }
0x9e: {  	s18 =	simm.s32 $0x200;
	v55 =	vld [tilespmem:s20+$0x350];
	v17 =	vadd.f32 v24, v22;
	v22 =	vadd.f32 v25, v23  }
0x9f: {  	v4 =	vld [tilespmem:s18+$0x47A0];
	v24 =	vadd.f32 v30, v28;
	v28 =	vadd.f32 v36, v34  }
0xa0: {  	v16 =	vld [tilespmem:s20+$0x270];
	v30 =	vadd.f32 v42, v40;
	v34 =	vsub.f32 v48, v38  }
0xa1: {  	v23 =	vld [tilespmem:s20+$0x4640];
	v36 =	vsub.f32 v54, v44;
	v14 =	vsub.f32 v17, v14  }
0xa2: {  	v25 =	vld [tilespmem:s20+$0x4650];
	v15 =	vsub.f32 v22, v15;
	v22 =	vadd.f32 v31, v29  }
0xa3: {  	v48 =	vld [tilespmem:s20+$0x8890];
	v0 =	vmul.f32 v0, v0;
	v20 =	vsub.f32 v24, v20;
	v24 =	vadd.f32 v37, v35  }
0xa4: {  	v1 =	vmul.f32 v1, v1;
	v17 =	vld [tilespmem:s20+$0x240];
	v26 =	vsub.f32 v28, v26;
	v28 =	vadd.f32 v43, v41  }
0xa5: {  	v29 =	vld [tilespmem:s20+$0x4600];
	v30 =	vsub.f32 v30, v32;
	v34 =	vmul.f32 v34, v34;
	v19 =	vadd.f32 v19, v63  }
0xa6: {  	v31 =	vld [tilespmem:s20+$0x210];
	v0 =	vadd.f32 v1, v0;
	v14 =	vmul.f32 v14, v14;
	v15 =	vmul.f32 v15, v15  }
0xa7: {  	v35 =	vld [tilespmem:s20+$0x4630];
	v21 =	vsub.f32 v22, v21;
	v20 =	vmul.f32 v20, v20;
	v24 =	vsub.f32 v24, v27  }
0xa8: {  	v32 =	vld [tilespmem:s20+$0x230];
	v26 =	vmul.f32 v26, v26;
	v28 =	vsub.f32 v28, v33;
	v33 =	vsub.f32 v49, v39  }
0xa9: {  	v1 =	vld [tilespmem:s20+$0x250];
	v30 =	vmul.f32 v30, v30;
	v39 =	vsub.f32 v47, v45;
	v16 =	vadd.f32 v16, v18  }
0xaa: {  	v22 =	vld [tilespmem:s20+$0x4610];
	v19 =	vsub.f32 v19, v50;
	v21 =	vmul.f32 v21, v21;
	v24 =	vmul.f32 v24, v24  }
0xab: {  	v27 =	vld [tilespmem:s20+$0x4620];
	v14 =	vadd.f32 v15, v14;
	v28 =	vmul.f32 v28, v28;
	v33 =	vmul.f32 v33, v33  }
0xac: {  	v49 =	vld [tilespmem:s20+$0x2F0];
	v53 =	vmul.f32 v39, v39;
	v17 =	vadd.f32 v17, v23;
	v16 =	vsub.f32 v16, v51  }
0xad: {  	v15 =	vld [tilespmem:s20+$0x200];
	v23 =	vmul.f32 v36, v36;
	v20 =	vadd.f32 v21, v20;
	v24 =	vadd.f32 v24, v26  }
0xae: {  	v21 =	vld [tilespmem:s20+$0x220];
	v28 =	vadd.f32 v28, v30;
	v18 =	vadd.f32 v33, v34  }
0xaf: {  	v37 =	vld [tilespmem:s20+$0x8830];
	(xrf2) =	vadd.scan.msk.f32 $0xffff, v0;
	v1 =	vadd.f32 v1, v25;
	v23 =	vadd.f32 v53, v23  }
0xb0: {  	v19 =	vmul.f32 v19, v19;
	v26 =	vld [tilespmem:s20+$0x8820];
	(xrf2) =	vadd.scan.msk.f32 $0xffff, v14;
	v17 =	vsub.f32 v17, v56;
	v22 =	vadd.f32 v31, v22  }
0xb1: {  	v54 =	vld [tilespmem:s20+$0x88F0];
	v16 =	vmul.f32 v16, v16;
	v12 =	vadd.f32 v49, v12;
	(xrf2) =	vadd.scan.msk.f32 $0xffff, v20;
	v20 =	vadd.f32 v32, v35  }
0xb2: {  	v38 =	vld [tilespmem:s18+$0x320];
	v15 =	vadd.f32 v15, v29;
	v1 =	vsub.f32 v1, v57  }
0xb3: {  	v40 =	vld [tilespmem:s18+$0x88C0];
	v16 =	vadd.f32 v16, v19;
	v17 =	vmul.f32 v17, v17;
	v0 =	vadd.f32 v21, v27  }
0xb4: {  	v42 =	vld [tilespmem:s18+$0x4700];
	(xrf2) =	vadd.scan.msk.f32 $0xffff, v24;
	v1 =	vmul.f32 v1, v1;
	v14 =	vsub.f32 v15, v61;
	v15 =	vsub.f32 v22, v62  }
0xb5: {  	v30 =	vld [tilespmem:s20+$0x8880];
	(xrf2) =	vadd.scan.msk.f32 $0xffff, v28;
	v20 =	vsub.f32 v20, v37;
	v26 =	vsub.f32 v0, v26  }
0xb6: {  	v44 =	vld [tilespmem:s18+$0x300];
	(xrf2) =	vadd.scan.msk.f32 $0xffff, v18;
	v17 =	vadd.f32 v1, v17;
	v1 =	vmul.f32 v14, v14;
	v14 =	vmul.f32 v15, v15  }
0xb7: {  	v41 =	vld [tilespmem:s18+$0x88D0];
	(xrf2) =	vadd.scan.msk.f32 $0xffff, v23;
	v20 =	vmul.f32 v20, v20;
	v15 =	vadd.f32 v60, v58;
	v23 =	vmul.f32 v26, v26  }
0xb8: {  	v25 =	vld [tilespmem:s20+$0x8940];
	(xrf2) =	vadd.scan.msk.f32 $0xffff, v16;
	v18 =	vadd.f32 v14, v1;
	v14 =	vadd.f32 v46, v59  }
0xb9: {  	v29 =	vld [tilespmem:s20+$0x8950];
	v26 =	vadd.f32 v13, v2;
	(xrf2) =	vadd.scan.msk.f32 $0xffff, v17;
	v17 =	vadd.f32 v20, v23  }
0xba: {  	v57 =	vld [tilespmem:s20+$0x3B0];
	v12 =	vsub.f32 v12, v54;
	v13 =	vsub.f32 v15, v30  }
0xbb: {  	v19 =	vld [tilespmem:s20+$0x89A0];
	v15 =	vsub.f32 v14, v48;
	(xrf2) =	vadd.scan.msk.f32 $0xffff, v18;
	v23 =	vsub.f32 v26, v52  }
0xbc: {  	v9 =	vadd.f32 v55, v9;
	v21 =	vld [tilespmem:s20+$0x89B0];
	v12 =	vmul.f32 v12, v12;
	v11, _, _ =	vpop (xrf2);
	v18 =	vmul.f32 v13, v13;
	(xrf2) =	vadd.scan.msk.f32 $0xffff, v17  }
0xbd: {  	v22 =	vld [tilespmem:s20+$0x3F0];
	v20 =	vmul.f32 v15, v15;
	v23 =	vmul.f32 v23, v23;
	v17, _, _ =	vpop (xrf2)  }
0xbe: {  	v7 =	vadd.f32 v8, v7;
	v43 =	vld [tilespmem:s18+$0x4710];
	v9 =	vsub.f32 v9, v29;
	v26, _, _ =	vpop (xrf2)  }
0xbf: {  	v63 =	vld [tilespmem:s18+$0x380];
	v18 =	vadd.f32 v20, v18;
	v12 =	vadd.f32 v12, v23;
	v8, _, _ =	vpop (xrf2)  }
0xc0: {  	v45 =	vld [tilespmem:s18+$0x310];
	v10 =	vsub.f32 v10, v25;
	v6 =	vadd.f32 v57, v6;
	v25, _, _ =	vpop (xrf2)  }
0xc1: {  	v24 =	vld [tilespmem:s20+$0x89F0];
	v7 =	vsub.f32 v7, v19;
	v30 =	vmul.f32 v9, v9;
	(xrf2) =	vadd.scan.msk.f32 $0xffff, v18;
	v29, _, _ =	vpop (xrf2)  }
0xc2: {  	v27 =	vld [tilespmem:s20+$0x89E0];
	v6 =	vsub.f32 v6, v21;
	v19 =	vadd.f32 v22, v3;
	v31, _, _ =	vpop (xrf2)  }
0xc3: {  	v42 =	vadd.f32 v44, v42;
	v44 =	vld [tilespmem:s18+$0x4670];
	v10 =	vmul.f32 v10, v10;
	(xrf2) =	vadd.scan.msk.f32 $0xffff, v12;
	v12, _, _ =	vpop (xrf2)  }
0xc4: {  	v39 =	vld [tilespmem:s18+$0x330];
	v7 =	vmul.f32 v7, v7;
	v6 =	vmul.f32 v6, v6;
	v22, _, _ =	vpop (xrf2)  }
0xc5: {  	v36 =	vld [tilespmem:s18+$0x4730];
	v10 =	vadd.f32 v30, v10;
	v30, _, _ =	vpop (xrf2)  }
0xc6: {  	v33 =	vld [tilespmem:s18+$0x4770];
	v6 =	vadd.f32 v6, v7;
	v7 =	vsub.f32 v19, v24;
	v19, _, _ =	vpop (xrf2)  }
0xc7: {  	v34 =	vld [tilespmem:s18+$0x8900];
	v27 =	vsub.f32 v5, v27;
	v19 =	vbroadcast v19, $0xF  }
0xc8: {  	v35 =	vld [tilespmem:s18+$0x4720]  }
0xc9: {  	v54 =	vld [tilespmem:s18+$0x8870];
	(xrf2) =	vadd.scan.msk.f32 $0xffff, v10;
	v10 =	vmul.f32 v27, v27;
	v27 =	vbroadcast v30, $0xF  }
0xca: {  	v28 =	vld [tilespmem:s18+$0x47D0]  }
0xcb: {  	v61 =	vld [tilespmem:s18+$0x2D0];
	v7 =	vmul.f32 v7, v7;
	(xrf2) =	vadd.scan.msk.f32 $0xffff, v6;
	v6 =	vsel vm0, v27, v19;
	v19, _, _ =	vpop (xrf2)  }
0xcc: {  	v62 =	vld [tilespmem:s18+$0x46A0];
	v22 =	vbroadcast v22, $0xF;
	v19 =	vbroadcast v19, $0xF  }
0xcd: {  	v0 =	vld [tilespmem:s18+$0x47E0];
	v12 =	vbroadcast v12, $0xF  }
0xce: {  	v16 =	vld [tilespmem:s18+$0x89D0];
	v7 =	vadd.f32 v7, v10;
	v6 =	vsel vm1, v6, v22  }
0xcf: {  	v58 =	vld [tilespmem:s18+$0x46C0];
	v10 =	vbroadcast v31, $0xF;
	v6 =	vsel vm2, v6, v12  }
0xd0: {  	v60 =	vld [tilespmem:s18+$0x2C0];
	v12 =	vbroadcast v29, $0xF;
	v6 =	vsel vm3, v6, v19;
	v19, _, _ =	vpop (xrf2);
	(xrf2) =	vadd.scan.msk.f32 $0xffff, v7  }
0xd1: {  	v1 =	vld [tilespmem:s18+$0x47F0];
	v6 =	vsel vm4, v6, v10;
	v7 =	vbroadcast v19, $0xF  }
0xd2: {  	v2 =	vld [tilespmem:s18+$0x3E0];
	v10 =	vbroadcast v25, $0xF;
	v6 =	vsel vm5, v6, v12  }
0xd3: {  	v46 =	vld [tilespmem:s18+$0x88A0];
	v6 =	vsel vm6, v6, v7;
	v7 =	vbroadcast v8, $0xF;
	v8, _, _ =	vpop (xrf2)  }
0xd4: {  	v59 =	vld [tilespmem:s18+$0x46D0];
	v6 =	vsel vm7, v6, v10;
	v8 =	vbroadcast v8, $0xF  }
0xd5: {  	v9 =	vld [tilespmem:s18+$0x8960];
	v10 =	vbroadcast v26, $0xF;
	v6 =	vsel vm8, v6, v7  }
0xd6: {  	v11 =	vbroadcast v11, $0xF;
	v21 =	vld [tilespmem:s18+$0x8970];
	v12, _, _ =	vpop (xrf2);
	v6 =	vsel vm9, v6, v8;
	v8 =	vbroadcast v17, $0xF  }
0xd7: {  	v3 =	vld [tilespmem:s18+$0x47B0];
	v12 =	vbroadcast v12, $0xF;
	v10 =	vsel vm10, v6, v10  }
0xd8: {  	v5 =	vld [tilespmem:s18+$0x3A0];
	v10 =	vsel vm11, v10, v8  }
0xd9: {  	v14 =	vld [tilespmem:s18+$0x89C0];
	v10 =	vsel vm12, v10, v12  }
0xda: {  	v13 =	vld [tilespmem:s18+$0x8980];
	v10 =	vsel vm13, v10, v11;
	v11, _, _ =	vpop (xrf2)  }
0xdb: {  	v20 =	vld [tilespmem:s18+$0x47C0];
	v37 =	vsel vm14, v10, v11  }
0xdc: {  	v18 =	vld [tilespmem:s18+$0x3C0];
	v10 =	vshrl.u32 v37, $0x1;
	v17 =	vmul.f32 $5.000000000e-01, v37  }
0xdd: {  	v23 =	vld [tilespmem:s18+$0x3D0];
	v10 =	vsub.s32 $0x5F3759DF, v10  }
0xde: {  	v48 =	vld [tilespmem:s18+$0x88B0];
	v11 =	vmul.f32 v10, v17  }
0xdf: {  	v15 =	vld [tilespmem:s18+$0x8990]  }
0xe0: {  	v24 =	vld [tilespmem:s18+$0x4780];
	v11 =	vmul.f32 v10, v11  }
0xe1: {  	v31 =	vld [tilespmem:s18+$0x8930];
	v18 =	vadd.f32 v18, v20  }
0xe2: {  	v20 =	vadd.f32 v23, v28;
	v28 =	vld [tilespmem:s18+$0x46B0];
	v11 =	vsub.f32 $1.500000000e+00, v11  }
0xe3: {  	v23 =	vld [tilespmem:s18+$0x2A0]  }
0xe4: {  	v30 =	vld [tilespmem:s18+$0x4790];
	v56 =	vmul.f32 v10, v11  }
0xe5: {  	v16 =	vsub.f32 v20, v16;
	v20 =	vadd.f32 v63, v24;
	v24 =	vld [tilespmem:s18+$0x2B0]  }
0xe6: {  	v14 =	vsub.f32 v18, v14;
	v18 =	vld [tilespmem:s18+$0x8840];
	v57 =	vmul.f32 v56, v17  }
0xe7: {  	v25 =	vld [tilespmem:s18+$0x370]  }
0xe8: {  	v27 =	vld [tilespmem:s18+$0x390];
	v49 =	vmul.f32 v57, v56  }
0xe9: {  	v22 =	vld [tilespmem:s18+$0x8920]  }
0xea: {  	v29 =	vld [tilespmem:s18+$0x4760];
	v49 =	vsub.f32 $1.500000000e+00, v49  }
0xeb: {  	v19 =	vld [tilespmem:s18+$0x360]  }
0xec: {  	v26 =	vld [tilespmem:s18+$0x8910];
	v25 =	vadd.f32 v25, v33;
	v47 =	vmul.f32 v49, v56  }
0xed: {  	v7 =	vld [tilespmem:s18+$0x4740]  }
0xee: {  	v25 =	vsub.f32 v25, v21;
	v21 =	vld [tilespmem:s18+$0x8810];
	v17 =	vmul.f32 v47, v17  }
0xef: {  	v6 =	vld [tilespmem:s18+$0x4750]  }
0xf0: {  	v8 =	vld [tilespmem:s18+$0x340];
	v17 =	vmul.f32 v17, v47  }
0xf1: {  	v13 =	vsub.f32 v20, v13;
	v12 =	vld [tilespmem:s18+$0x2E0];
	v57 =	vadd.f32 v23, v62  }
0xf2: {  	v11 =	vld [tilespmem:s18+$0x46E0];
	v63 =	vsub.f32 $1.500000000e+00, v17;
	v17 =	vadd.f32 v27, v30  }
0xf3: {  	v14 =	vmul.f32 v14, v14;
	v24 =	vadd.f32 v24, v28;
	v10 =	vld [tilespmem:s18+$0x46F0];
	v27 =	vadd.f32 v19, v29  }
0xf4: {  	v13 =	vmul.f32 v13, v13;
	v23 =	vld [tilespmem:s18+$0x4600];
	v28 =	vsub.f32 v57, v46;
	v20 =	vsub.f32 v17, v15  }
0xf5: {  	v25 =	vmul.f32 v25, v25;
	v49 =	vld [tilespmem:s18+$0x8860];
	v29 =	vmul.f32 v16, v16;
	v9 =	vsub.f32 v27, v9  }
0xf6: {  	v56 =	vld [tilespmem:s18+$0x240];
	v62 =	vmul.f32 v28, v28;
	v30 =	vmul.f32 v20, v20  }
0xf7: {  	v28 =	vld [tilespmem:s18+$0x220];
	v14 =	vadd.f32 v29, v14;
	v29 =	vadd.f32 v38, v35;
	v9 =	vmul.f32 v9, v9  }
0xf8: {  	v19 =	vld [tilespmem:s18+$0x8850];
	v27 =	vadd.f32 v39, v36;
	v13 =	vadd.f32 v30, v13  }
0xf9: {  	v33 =	vsub.f32 v42, v34;
	v16 =	vld [tilespmem:s18+$0x4680];
	(xrf2) =	vadd.scan.msk.f32 $0xffff, v14;
	v9 =	vadd.f32 v25, v9  }
0xfa: {  	v15 =	vld [tilespmem:s18+$0x4690];
	v22 =	vsub.f32 v29, v22;
	v27 =	vsub.f32 v27, v31;
	(xrf2) =	vadd.scan.msk.f32 $0xffff, v13  }
0xfb: {  	v17 =	vld [tilespmem:s18+$0x280];
	v29 =	vadd.f32 v45, v43;
	(xrf2) =	vadd.scan.msk.f32 $0xffff, v9;
	v9 =	vadd.f32 v61, v59  }
0xfc: {  	v20 =	vld [tilespmem:s18+$0x8800];
	v25 =	vadd.f32 v60, v58;
	v22 =	vmul.f32 v22, v22;
	v27 =	vmul.f32 v27, v27  }
0xfd: {  	v14 =	vld [tilespmem:s18+$0x260];
	v26 =	vsub.f32 v29, v26;
	v9 =	vsub.f32 v9, v41  }
0xfe: {  	v30 =	vld [tilespmem:s18+$0x4660];
	v53 =	vadd.f32 v27, v22;
	v22 =	vmul.f32 v33, v33  }
0xff: {  	v13 =	vld [tilespmem:s18+$0x270];
	v26 =	vmul.f32 v26, v26;
	v25 =	vsub.f32 v25, v40;
	v9 =	vmul.f32 v9, v9  }
0x100: {  	v31 =	vld [tilespmem:s18+$0x4640];
	(xrf2) =	vadd.scan.msk.f32 $0xffff, v53  }
0x101: {  	v29 =	vld [tilespmem:s18+$0x4650];
	v26 =	vadd.f32 v26, v22;
	v25 =	vmul.f32 v25, v25  }
0x102: {  	v58 =	vld [tilespmem:s18+$0x250];
	v59 =	vsub.f32 v24, v48  }
0x103: {  	v32 =	vmul.f32 v63, v47;
	v27 =	vld [tilespmem:s18+$0x200];
	v14 =	vadd.f32 v14, v30;
	v61 =	vadd.f32 v9, v25;
	v9, _, _ =	vpop (xrf2);
	(xrf2) =	vadd.scan.msk.f32 $0xffff, v26  }
0x104: {  	v24 =	vld [tilespmem:s18+$0x210];
	v60 =	vadd.f32 v13, v44  }
0x105: {  	v37 =	vmul.f32 v32, v37;
	v22 =	vld [tilespmem:s18+$0x4610];
	v30 =	vadd.f32 v56, v31;
	v63 =	vmul.f32 v59, v59  }
0x106: {  	v31 =	vsub.f32 v14, v49;
	v25 =	vld [tilespmem:s18+$0x4620];
	v32 =	vsub.f32 v60, v54;
	v13, _, _ =	vpop (xrf2);
	(xrf2) =	vadd.scan.msk.f32 $0xffff, v61  }
0x107: {  	s19 =	simm.s32 $0x4200;
	s20 =	simm.s32 $0x1000;
	[tilespmem:s16+$0x0] =	vst v37;
	v33 =	vadd.f32 v58, v29;
	v29 =	vadd.f32 v63, v62;
	v26 =	vld [tilespmem:s18+$0x4630];
	v14, _, _ =	vpop (xrf2)  }
.LBB2_2:
0x108: {  	p0 =	sne.s32 s20, $0xF800;
	v27 =	vadd.f32 v27, v23;
	v34 =	vld [tilespmem:s18+$0x230];
	v35 =	vmul.f32 v31, v31;
	v31 =	vmul.f32 v32, v32  }
0x109: {  	v18 =	vsub.f32 v30, v18;
	v32 =	vld [tilespmem:s18+$0x8820];
	v19 =	vsub.f32 v33, v19;
	(xrf2) =	vadd.scan.msk.f32 $0xffff, v29  }
0x10a: {  	v22 =	vadd.f32 v24, v22;
	v24 =	vld [tilespmem:s18+$0x8830];
	v29 =	vadd.f32 v31, v35;
	v23, _, _ =	vpop (xrf2)  }
0x10b: {  	v18 =	vmul.f32 v18, v18;
	v25 =	vadd.f32 v28, v25;
	v19 =	vmul.f32 v19, v19;
	v28 =	vld [tilespmem:s18+$0x290]  }
0x10c: {  	v20 =	vsub.f32 v27, v20;
	v21 =	vsub.f32 v22, v21;
	v22 =	vld [tilespmem:s18+$0x8880];
	(xrf2) =	vadd.scan.msk.f32 $0xffff, v29  }
0x10d: {  	v26 =	vadd.f32 v34, v26;
	v18 =	vadd.f32 v19, v18;
	v19 =	vld [tilespmem:s18+$0x8890];
	v27, _, _ =	vpop (xrf2)  }
0x10e: {  	v16 =	vadd.f32 v17, v16;
	v20 =	vmul.f32 v20, v20;
	v21 =	vmul.f32 v21, v21;
	v17 =	vld [tilespmem:s18+$0x2F0]  }
0x10f: {  	v25 =	vsub.f32 v25, v32;
	v24 =	vsub.f32 v26, v24;
	v26 =	vld [tilespmem:s18+$0x88E0];
	(xrf2) =	vadd.scan.msk.f32 $0xffff, v18  }
0x110: {  	v18 =	vadd.f32 v21, v20;
	v15 =	vadd.f32 v28, v15;
	v20 =	vld [tilespmem:s18+$0x88F0];
	v28, _, _ =	vpop (xrf2)  }
0x111: {  	v11 =	vadd.f32 v12, v11;
	v25 =	vmul.f32 v25, v25;
	v24 =	vmul.f32 v24, v24;
	v12 =	vld [tilespmem:s18+$0x350]  }
0x112: {  	v16 =	vsub.f32 v16, v22;
	v15 =	vsub.f32 v15, v19;
	v19 =	vld [tilespmem:s18+$0x8940];
	(xrf2) =	vadd.scan.msk.f32 $0xffff, v18  }
0x113: {  	v18 =	vadd.f32 v24, v25;
	v10 =	vadd.f32 v17, v10;
	v17 =	vld [tilespmem:s18+$0x8950];
	v21, _, _ =	vpop (xrf2)  }
0x114: {  	v7 =	vadd.f32 v8, v7;
	v16 =	vmul.f32 v16, v16;
	v15 =	vmul.f32 v15, v15;
	v8 =	vld [tilespmem:s18+$0x3B0]  }
0x115: {  	v11 =	vsub.f32 v11, v26;
	v10 =	vsub.f32 v10, v20;
	v20 =	vld [tilespmem:s18+$0x89A0];
	(xrf2) =	vadd.scan.msk.f32 $0xffff, v18  }
0x116: {  	v15 =	vadd.f32 v15, v16;
	v6 =	vadd.f32 v12, v6;
	v12 =	vld [tilespmem:s18+$0x89B0];
	v22, _, _ =	vpop (xrf2)  }
0x117: {  	v4 =	vadd.f32 v5, v4;
	v16 =	vmul.f32 v11, v11;
	v10 =	vmul.f32 v10, v10;
	v5 =	vld [tilespmem:s18+$0x3F0]  }
0x118: {  	v7 =	vsub.f32 v7, v19;
	v6 =	vsub.f32 v6, v17;
	v17 =	vld [tilespmem:s18+$0x89E0];
	(xrf2) =	vadd.scan.msk.f32 $0xffff, v15  }
0x119: {  	v10 =	vadd.f32 v10, v16;
	v3 =	vadd.f32 v8, v3;
	v8 =	vld [tilespmem:s18+$0x89F0];
	s18 =	sshra.s32 s20, $0x2;
	v11, _, _ =	vpop (xrf2)  }
0x11a: {  	v15 =	vadd.f32 v2, v0;
	v7 =	vmul.f32 v7, v7;
	v6 =	vmul.f32 v6, v6;
	v0 =	vld [tilespmem:s18+$0x47E0]  }
0x11b: {  	v4 =	vsub.f32 v4, v20;
	v19 =	vld [tilespmem:s18+$0x47F0];
	v3 =	vsub.f32 v3, v12;
	(xrf2) =	vadd.scan.msk.f32 $0xffff, v10  }
0x11c: {  	v2 =	vld [tilespmem:s18+$0x3E0];
	v6 =	vadd.f32 v6, v7;
	v10 =	vadd.f32 v5, v1;
	v5, _, _ =	vpop (xrf2)  }
0x11d: {  	v4 =	vmul.f32 v4, v4;
	v16 =	vld [tilespmem:s18+$0x89C0];
	v3 =	vmul.f32 v3, v3;
	v7 =	vsub.f32 v15, v17  }
0x11e: {  	v18 =	vld [tilespmem:s18+$0x89D0];
	(xrf2) =	vadd.scan.msk.f32 $0xffff, v6  }
0x11f: {  	v15 =	vld [tilespmem:s18+$0x8980];
	v3 =	vadd.f32 v3, v4;
	v4 =	vsub.f32 v10, v8;
	v6 =	vmul.f32 v7, v7;
	v1, _, _ =	vpop (xrf2)  }
0x120: {  	v5 =	vbroadcast v5, $0xF;
	v17 =	vld [tilespmem:s18+$0x8990];
	v10 =	vbroadcast v1, $0xF;
	v1 =	vmov v19  }
0x121: {  	v8 =	vbroadcast v11, $0xF;
	v19 =	vld [tilespmem:s18+$0x47C0];
	v4 =	vmul.f32 v4, v4;
	(xrf2) =	vadd.scan.msk.f32 $0xffff, v3  }
0x122: {  	v20 =	vld [tilespmem:s18+$0x47D0];
	v3 =	vsel vm0, v5, v10;
	v5 =	vbroadcast v22, $0xF;
	v7, _, _ =	vpop (xrf2)  }
0x123: {  	v24 =	vld [tilespmem:s18+$0x3C0];
	v3 =	vsel vm1, v3, v8;
	v8 =	vbroadcast v7, $0xF;
	v4 =	vadd.f32 v4, v6  }
0x124: {  	v25 =	vld [tilespmem:s18+$0x3D0];
	v3 =	vsel vm2, v3, v5;
	v5 =	vbroadcast v21, $0xF  }
0x125: {  	v6 =	vbroadcast v28, $0xF;
	v21 =	vld [tilespmem:s18+$0x8960];
	v3 =	vsel vm3, v3, v8;
	v7, _, _ =	vpop (xrf2);
	(xrf2) =	vadd.scan.msk.f32 $0xffff, v4  }
0x126: {  	v22 =	vld [tilespmem:s18+$0x8970];
	v3 =	vsel vm4, v3, v5;
	v5 =	vbroadcast v7, $0xF  }
0x127: {  	v7 =	vbroadcast v27, $0xF;
	v4 =	vld [tilespmem:s18+$0x47A0];
	v6 =	vsel vm5, v3, v6  }
0x128: {  	v8 =	vbroadcast v23, $0xF;
	v3 =	vld [tilespmem:s18+$0x47B0];
	v6 =	vsel vm6, v6, v5;
	v10, _, _ =	vpop (xrf2)  }
0x129: {  	v5 =	vld [tilespmem:s18+$0x3A0];
	v6 =	vsel vm7, v6, v7;
	v7 =	vbroadcast v10, $0xF  }
0x12a: {  	v23 =	vld [tilespmem:s18+$0x4780];
	v6 =	vsel vm8, v6, v8;
	v8 =	vbroadcast v14, $0xF  }
0x12b: {  	v26 =	vld [tilespmem:s18+$0x4790];
	v6 =	vsel vm9, v6, v7;
	v7 =	vbroadcast v13, $0xF;
	v10, _, _ =	vpop (xrf2)  }
0x12c: {  	v27 =	vld [tilespmem:s18+$0x380];
	v6 =	vsel vm10, v6, v8;
	v8 =	vbroadcast v10, $0xF  }
0x12d: {  	v10 =	vbroadcast v9, $0xF;
	v28 =	vld [tilespmem:s18+$0x390];
	v6 =	vsel vm11, v6, v7  }
0x12e: {  	v9 =	vld [tilespmem:s18+$0x8920];
	v6 =	vsel vm12, v6, v8  }
0x12f: {  	v13 =	vld [tilespmem:s18+$0x8930];
	v6 =	vsel vm13, v6, v10;
	v7, _, _ =	vpop (xrf2)  }
0x130: {  	v29 =	vld [tilespmem:s18+$0x4760];
	v30 =	vsel vm14, v6, v7  }
0x131: {  	v31 =	vld [tilespmem:s18+$0x4770];
	v6 =	vshrl.u32 v30, $0x1;
	v10 =	vmul.f32 $5.000000000e-01, v30  }
0x132: {  	v32 =	vld [tilespmem:s18+$0x360];
	v11 =	vsub.s32 $0x5F3759DF, v6  }
0x133: {  	v33 =	vld [tilespmem:s18+$0x370];
	v6 =	vmul.f32 v11, v10  }
0x134: {  	v14 =	vld [tilespmem:s18+$0x8900]  }
0x135: {  	v34 =	vld [tilespmem:s18+$0x8910];
	v8 =	vmul.f32 v11, v6  }
0x136: {  	v7 =	vld [tilespmem:s18+$0x4740]  }
0x137: {  	v6 =	vld [tilespmem:s18+$0x4750];
	v12 =	vsub.f32 $1.500000000e+00, v8  }
0x138: {  	v8 =	vld [tilespmem:s18+$0x340]  }
0x139: {  	v35 =	vld [tilespmem:s18+$0x4720];
	v11 =	vmul.f32 v11, v12  }
0x13a: {  	v36 =	vld [tilespmem:s18+$0x4730]  }
0x13b: {  	v37 =	vld [tilespmem:s18+$0x320];
	v12 =	vmul.f32 v11, v10  }
0x13c: {  	v38 =	vld [tilespmem:s18+$0x330]  }
0x13d: {  	v39 =	vld [tilespmem:s18+$0x88C0];
	v12 =	vmul.f32 v12, v11  }
0x13e: {  	v40 =	vld [tilespmem:s18+$0x88D0]  }
0x13f: {  	v41 =	vld [tilespmem:s18+$0x4700];
	v12 =	vsub.f32 $1.500000000e+00, v12  }
0x140: {  	v42 =	vld [tilespmem:s18+$0x4710]  }
0x141: {  	v43 =	vld [tilespmem:s18+$0x300];
	v44 =	vmul.f32 v12, v11  }
0x142: {  	v45 =	vld [tilespmem:s18+$0x310]  }
0x143: {  	v46 =	vld [tilespmem:s18+$0x88A0];
	v10 =	vmul.f32 v44, v10  }
0x144: {  	v47 =	vld [tilespmem:s18+$0x88B0]  }
0x145: {  	v11 =	vld [tilespmem:s18+$0x46E0];
	v48 =	vmul.f32 v10, v44  }
0x146: {  	v10 =	vld [tilespmem:s18+$0x46F0]  }
0x147: {  	v12 =	vld [tilespmem:s18+$0x2E0];
	v48 =	vsub.f32 $1.500000000e+00, v48  }
0x148: {  	v49 =	vld [tilespmem:s18+$0x46C0]  }
0x149: {  	v50 =	vld [tilespmem:s18+$0x46D0];
	v44 =	vmul.f32 v48, v44  }
0x14a: {  	v48 =	vld [tilespmem:s18+$0x2C0]  }
0x14b: {  	v51 =	vld [tilespmem:s18+$0x2D0];
	v30 =	vmul.f32 v44, v30  }
0x14c: {  	s19 =	sadd.s32 $0x10, s19;
	v44 =	vld [tilespmem:s18+$0x8860]  }
0x14d: {  	v52 =	vld [tilespmem:s18+$0x8870];
	[tilespmem:s19+$0x0] =	vst v30  }
0x14e: {  	v30 =	vld [tilespmem:s18+$0x46A0]  }
0x14f: {  	v19 =	vadd.f32 v24, v19;
	v20 =	vadd.f32 v25, v20;
	v53 =	vld [tilespmem:s18+$0x46B0]  }
0x150: {  	v24 =	vld [tilespmem:s18+$0x2A0]  }
0x151: {  	v16 =	vsub.f32 v19, v16;
	v20 =	vsub.f32 v20, v18;
	v25 =	vld [tilespmem:s18+$0x2B0]  }
0x152: {  	v23 =	vadd.f32 v27, v23;
	v26 =	vadd.f32 v28, v26;
	v18 =	vld [tilespmem:s18+$0x8840]  }
0x153: {  	v20 =	vmul.f32 v20, v20;
	v28 =	vmul.f32 v16, v16;
	v27 =	vadd.f32 v32, v29;
	v19 =	vld [tilespmem:s18+$0x8850]  }
0x154: {  	v23 =	vsub.f32 v23, v15;
	v26 =	vsub.f32 v26, v17;
	v16 =	vld [tilespmem:s18+$0x4680]  }
0x155: {  	v28 =	vadd.f32 v20, v28;
	v29 =	vadd.f32 v33, v31;
	v15 =	vld [tilespmem:s18+$0x4690]  }
0x156: {  	v23 =	vmul.f32 v23, v23;
	v26 =	vmul.f32 v26, v26;
	v31 =	vadd.f32 v37, v35;
	v17 =	vld [tilespmem:s18+$0x280]  }
0x157: {  	v27 =	vsub.f32 v27, v21;
	v22 =	vsub.f32 v29, v22;
	v20 =	vld [tilespmem:s18+$0x8800];
	(xrf2) =	vadd.scan.msk.f32 $0xffff, v28  }
0x158: {  	v23 =	vadd.f32 v26, v23;
	v28 =	vadd.f32 v38, v36;
	v21 =	vld [tilespmem:s18+$0x8810]  }
0x159: {  	v27 =	vmul.f32 v27, v27;
	v22 =	vmul.f32 v22, v22;
	v29 =	vadd.f32 v43, v41;
	v26 =	vld [tilespmem:s18+$0x4660]  }
0x15a: {  	v9 =	vsub.f32 v31, v9;
	v13 =	vsub.f32 v28, v13;
	v32 =	vld [tilespmem:s18+$0x4670];
	(xrf2) =	vadd.scan.msk.f32 $0xffff, v23  }
0x15b: {  	v22 =	vadd.f32 v22, v27;
	v23 =	vadd.f32 v45, v42;
	v28 =	vld [tilespmem:s18+$0x260]  }
0x15c: {  	v9 =	vmul.f32 v9, v9;
	v27 =	vadd.f32 v48, v49;
	v13 =	vmul.f32 v13, v13;
	v31 =	vld [tilespmem:s18+$0x270]  }
0x15d: {  	v14 =	vsub.f32 v29, v14;
	v23 =	vsub.f32 v23, v34;
	v33 =	vld [tilespmem:s18+$0x4640];
	(xrf2) =	vadd.scan.msk.f32 $0xffff, v22  }
0x15e: {  	v22 =	vadd.f32 v51, v50;
	v36 =	vadd.f32 v13, v9;
	v29 =	vld [tilespmem:s18+$0x4650]  }
0x15f: {  	v14 =	vmul.f32 v14, v14;
	v13 =	vadd.f32 v24, v30;
	v24 =	vmul.f32 v23, v23;
	v34 =	vld [tilespmem:s18+$0x240]  }
0x160: {  	v27 =	vsub.f32 v27, v39;
	v30 =	vsub.f32 v22, v40;
	v35 =	vld [tilespmem:s18+$0x250];
	(xrf2) =	vadd.scan.msk.f32 $0xffff, v36  }
0x161: {  	v25 =	vadd.f32 v25, v53;
	v14 =	vadd.f32 v24, v14;
	v23 =	vld [tilespmem:s18+$0x4600];
	v9, _, _ =	vpop (xrf2)  }
0x162: {  	v26 =	vadd.f32 v28, v26;
	v28 =	vmul.f32 v27, v27;
	v30 =	vmul.f32 v30, v30;
	v22 =	vld [tilespmem:s18+$0x4610]  }
.Ltmp0:
0x163: {  	v37 =	vsub.f32 v25, v47;
	v36 =	vsub.f32 v13, v46;
	v27 =	vld [tilespmem:s18+$0x200];
	(xrf2) =	vadd.scan.msk.f32 $0xffff, v14;
	(pc) =	sbr.rel @p0 .LBB2_2-.Ltmp0, $4  }
0x164: {  	v39 =	vadd.f32 v31, v32;
	v38 =	vadd.f32 v30, v28;
	v24 =	vld [tilespmem:s18+$0x210];
	v13, _, _ =	vpop (xrf2)  }
0x165: {  	v30 =	vadd.f32 v34, v33;
	v34 =	vmul.f32 v36, v36;
	v36 =	vmul.f32 v37, v37;
	v25 =	vld [tilespmem:s18+$0x4620]  }
0x166: {  	v31 =	vsub.f32 v26, v44;
	v32 =	vsub.f32 v39, v52;
	v28 =	vld [tilespmem:s18+$0x220];
	(xrf2) =	vadd.scan.msk.f32 $0xffff, v38  }
0x167: {  	s20 =	sadd.s32 $0x800, s20;
	v33 =	vadd.f32 v35, v29;
	v29 =	vadd.f32 v36, v34;
	v26 =	vld [tilespmem:s18+$0x4630];
	v14, _, _ =	vpop (xrf2)  }
0x168: {  	v52 =	vld [tilespmem:s18+$0x230]  }
0x169: {  	v23 =	vadd.f32 v27, v23;
	v31 =	vmul.f32 v31, v31;
	v34 =	vld [tilespmem:s18+$0x8820];
	v18 =	vsub.f32 v30, v18  }
0x16a: {  	v32 =	vmul.f32 v32, v32;
	v53 =	vld [tilespmem:s18+$0x8830];
	v16 =	vadd.f32 v17, v16;
	v11 =	vadd.f32 v12, v11  }
0x16b: {  	v55 =	vld [tilespmem:s18+$0x290];
	v19 =	vsub.f32 v33, v19;
	v22 =	vadd.f32 v24, v22  }
0x16c: {  	v56 =	vld [tilespmem:s18+$0x8880];
	v54 =	vadd.f32 v32, v31;
	v20 =	vsub.f32 v23, v20  }
0x16d: {  	v58 =	vld [tilespmem:s18+$0x8890];
	v25 =	vadd.f32 v28, v25;
	v57 =	vadd.f32 v52, v26  }
0x16e: {  	v59 =	vld [tilespmem:s18+$0x2F0];
	v18 =	vmul.f32 v18, v18;
	v19 =	vmul.f32 v19, v19;
	v21 =	vsub.f32 v22, v21  }
0x16f: {  	v60 =	vld [tilespmem:s18+$0x88E0];
	v20 =	vmul.f32 v20, v20;
	v25 =	vsub.f32 v25, v34;
	v23 =	vsub.f32 v57, v53  }
0x170: {  	v61 =	vld [tilespmem:s18+$0x88F0];
	v18 =	vadd.f32 v19, v18;
	v21 =	vmul.f32 v21, v21;
	v15 =	vadd.f32 v55, v15  }
0x171: {  	v62 =	vld [tilespmem:s18+$0x350];
	(xrf2) =	vadd.scan.msk.f32 $0xffff, v29;
	v16 =	vsub.f32 v16, v56;
	v25 =	vmul.f32 v25, v25;
	v23 =	vmul.f32 v23, v23  }
0x172: {  	v63 =	vld [tilespmem:s18+$0x8940];
	(xrf2) =	vadd.scan.msk.f32 $0xffff, v54;
	v20 =	vadd.f32 v21, v20;
	v15 =	vsub.f32 v15, v58  }
0x173: {  	v27 =	vld [tilespmem:s18+$0x8950];
	v10 =	vadd.f32 v59, v10;
	(xrf2) =	vadd.scan.msk.f32 $0xffff, v18;
	v26 =	vadd.f32 v23, v25  }
0x174: {  	v7 =	vadd.f32 v8, v7;
	v28 =	vld [tilespmem:s18+$0x3B0];
	v16 =	vmul.f32 v16, v16;
	(xrf2) =	vadd.scan.msk.f32 $0xffff, v20;
	v15 =	vmul.f32 v15, v15  }
0x175: {  	v30 =	vld [tilespmem:s18+$0x89B0];
	v11 =	vsub.f32 v11, v60;
	v10 =	vsub.f32 v10, v61;
	(xrf2) =	vadd.scan.msk.f32 $0xffff, v26  }
0x176: {  	v29 =	vld [tilespmem:s18+$0x89A0];
	v6 =	vadd.f32 v62, v6;
	v15 =	vadd.f32 v15, v16  }
0x177: {  	v4 =	vadd.f32 v5, v4;
	v33 =	vld [tilespmem:s18+$0x89E0];
	v11 =	vmul.f32 v11, v11;
	v10 =	vmul.f32 v10, v10  }
0x178: {  	v31 =	vld [tilespmem:s18+$0x3F0];
	v32, _, _ =	vpop (xrf2);
	v7 =	vsub.f32 v7, v63;
	v6 =	vsub.f32 v6, v27;
	(xrf2) =	vadd.scan.msk.f32 $0xffff, v15  }
0x179: {  	v34, _, _ =	vpop (xrf2);
	v3 =	vadd.f32 v28, v3;
	v10 =	vadd.f32 v10, v11  }
0x17a: {  	v36 =	vld [tilespmem:s18+$0x89F0];
	v0 =	vadd.f32 v2, v0;
	v7 =	vmul.f32 v7, v7;
	v35, _, _ =	vpop (xrf2);
	v6 =	vmul.f32 v6, v6  }
0x17b: {  	v4 =	vsub.f32 v4, v29;
	v3 =	vsub.f32 v3, v30;
	v37, _, _ =	vpop (xrf2);
	(xrf2) =	vadd.scan.msk.f32 $0xffff, v10  }
0x17c: {  	v0 =	vsub.f32 v0, v33;
	v6 =	vadd.f32 v6, v7;
	v38, _, _ =	vpop (xrf2)  }
0x17d: {  	v1 =	vadd.f32 v31, v1;
	v4 =	vmul.f32 v4, v4;
	v3 =	vmul.f32 v3, v3;
	v39, _, _ =	vpop (xrf2)  }
0x17e: {  	(xrf2) =	vadd.scan.msk.f32 $0xffff, v6;
	v40, _, _ =	vpop (xrf2)  }
0x17f: {  	v0 =	vmul.f32 v0, v0;
	v1 =	vsub.f32 v1, v36;
	v3 =	vadd.f32 v3, v4;
	v41, _, _ =	vpop (xrf2)  }
0x180: {  	v42 =	vbroadcast v40, $0xF;
	v4 =	vbroadcast v41, $0xF  }
0x181: {  	v1 =	vmul.f32 v1, v1;
	(xrf2) =	vadd.scan.msk.f32 $0xffff, v3;
	v5 =	vbroadcast v39, $0xF  }
0x182: {  	v44 =	vbroadcast v38, $0xF;
	v45, _, _ =	vpop (xrf2);
	v43 =	vsel vm0, v42, v4  }
0x183: {  	v0 =	vadd.f32 v1, v0;
	v46 =	vbroadcast v45, $0xF;
	v3 =	vsel vm1, v43, v5  }
0x184: {  	v2 =	vbroadcast v37, $0xF;
	v47 =	vsel vm2, v3, v44  }
0x185: {  	v48 =	vbroadcast v35, $0xF;
	(xrf2) =	vadd.scan.msk.f32 $0xffff, v0;
	v49, _, _ =	vpop (xrf2);
	v1 =	vsel vm3, v47, v46  }
0x186: {  	v51 =	vbroadcast v49, $0xF;
	v50 =	vsel vm4, v1, v2  }
0x187: {  	v52 =	vbroadcast v34, $0xF;
	v0 =	vsel vm5, v50, v48  }
0x188: {  	v53 =	vbroadcast v32, $0xF;
	v54, _, _ =	vpop (xrf2);
	v0 =	vsel vm6, v0, v51  }
0x189: {  	v55 =	vbroadcast v54, $0xF;
	v0 =	vsel vm7, v0, v52  }
0x18a: {  	v56 =	vbroadcast v14, $0xF;
	v0 =	vsel vm8, v0, v53  }
0x18b: {  	v57 =	vbroadcast v13, $0xF;
	v58, _, _ =	vpop (xrf2);
	v0 =	vsel vm9, v0, v55  }
0x18c: {  	v59 =	vbroadcast v58, $0xF;
	v0 =	vsel vm10, v0, v56  }
0x18d: {  	v60 =	vbroadcast v9, $0xF;
	v0 =	vsel vm11, v0, v57  }
0x18e: {  	v0 =	vsel vm12, v0, v59  }
0x18f: {  	v61, _, _ =	vpop (xrf2);
	v0 =	vsel vm13, v0, v60  }
0x190: {  	v0 =	vsel vm14, v0, v61  }
0x191: {  	v1 =	vshrl.u32 v0, $0x1;
	v62 =	vmul.f32 $5.000000000e-01, v0  }
0x192: {  	v1 =	vsub.s32 $0x5F3759DF, v1  }
0x193: {  	v63 =	vmul.f32 v1, v62;
	_ =	sdelay $0x1  }
0x194: {  	v3 =	vmul.f32 v1, v63;
	_ =	sdelay $0x1  }
0x195: {  	v3 =	vsub.f32 $1.500000000e+00, v3;
	_ =	sdelay $0x1  }
0x196: {  	v1 =	vmul.f32 v1, v3;
	_ =	sdelay $0x1  }
0x197: {  	v3 =	vmul.f32 v1, v62;
	_ =	sdelay $0x1  }
0x198: {  	v3 =	vmul.f32 v3, v1;
	_ =	sdelay $0x1  }
0x199: {  	v3 =	vsub.f32 $1.500000000e+00, v3;
	_ =	sdelay $0x1  }
0x19a: {  	v1 =	vmul.f32 v3, v1;
	_ =	sdelay $0x1  }
0x19b: {  	v2 =	vmul.f32 v1, v62;
	_ =	sdelay $0x1  }
0x19c: {  	v2 =	vmul.f32 v2, v1;
	_ =	sdelay $0x1  }
0x19d: {  	v2 =	vsub.f32 $1.500000000e+00, v2;
	_ =	sdelay $0x1  }
0x19e: {  	v1 =	vmul.f32 v2, v1;
	_ =	sdelay $0x1  }
0x19f: {  	s17 =	sadd.s32 $0x1, s17;
	v0 =	vmul.f32 v1, v0  }
0x1a0: {  	s20 =	sadd.s32 $0x10, s19;
	p0 =	sne.s32 s17, s9  }
.Ltmp1:
0x1a1: {  	[tilespmem:s20+$0x0] =	vst v0;
	(pc) =	sbr.rel @p0 .LBB2_1-.Ltmp1, $4  }
0x1a2: {  	[hbm4b:s8+s1] =	stream.linear.scatter [tilespmem:s16], [sflag:$0x2], $0x200, $0x38;
	[tilespmem:$0xC800] =	vst v63  }
0x1a3: {  	_ =	swait.ge [sflag:s11], $0x200  }
0x1a4: {  	[sflag:s11] =	ssyncset.done $0x0  }
0x1a5: {  	[sflag:s11] =	ssyncadd.s32 $0xFFFFFE00  }
0x1a6: {  	_ =	sfence.sel $0x180000  }
0x1a7: {  	[bflag:$0x0] =	sbarrier.arrive $0xFFFF  }
0x1a8: {  	_ =	strace $0x90000047  }
0x1a9: {  	s0 =	stileid.u32;
	[bflag:$0x2] =	sbarrier.arrive $0xFFFF  }
0x1aa: {  	p0 =	sne.s32 s0, $0x0;
	s0 =	rddreg [dreg:$0x5]  }
0x1ab: {  	s0 =	sadd.s32 @!p0 $0x100000, s0  }
0x1ac: {  	[sflag:s0] =	ssyncadd.tile.s32 @!p0 $0x1;
	_ =	shalt  }
.Lfunc_end2:
_tile_overlayer_lowered:
.L_overlay_start_2:
0x1ad: {  	(tag) =	ssettag $0x2  }
0x1ae: {  	s0 =	rddreg [dreg:$0x0];
	s2 =	stileid.u32  }
0x1af: {  	s1 =	rddreg [dreg:$0x1];
	p0 =	sne.s32 s2, $0x0  }
0x1b0: {  	s3 =	rddreg [dreg:$0x2];
	[bflag:$0x3] =	sbarrier.arrive $0xFFFF;
	s2 =	simm.s32 @!p0 $0x1C02  }
0x1b1: {  	[timem:s3], [sflag:s2] =	dma.local @!p0 [hbm:s0], s1  }
0x1b2: {  	s0 =	simm.s32 @!p0 $0x2  }
0x1b3: {  	_ =	swait.ge @!p0 [sflag:s0], s1  }
0x1b4: {  	s1 =	ssub.s32 @!p0 $0x0, s1;
	[sflag:s0] =	ssyncset.done @!p0 $0x0  }
0x1b5: {  	[sflag:s0] =	ssyncadd.s32 @!p0 s1  }
0x1b6: {  	[bflag:$0x3] =	sbarrier.arrive $0xFFFF  }
0x1b7: {  	_ =	shalt  }

</sc_bundles>
